<compile_context>
chip_gen: v7x
topology: tpu7x:2x2x1
jax: 0.10.2.dev20260603
libtpu: 0.0.44.dev20260713+nightly
codegen_flags: <defaults>
</compile_context>

<pallas_src>
import functools

import jax
import jax.numpy as jnp
from jax import lax
from jax.experimental import pallas as pl
from jax.experimental.pallas import tpu as pltpu
from jax.experimental.pallas import tpu_sc as plsc

B, C_IN, T = 16, 256, 2048
DVQ, K = 32, 8192
BLK = 512
NT = T // BLK
NCHUNKS = 1
BC = B // NCHUNKS

_PREC = lax.Precision.DEFAULT


def _e2_body(cb_ref, e2_ref):
    cb = cb_ref[...]
    e2 = jnp.sum(cb * cb, axis=1, keepdims=True)
    e2_ref[...] = jnp.broadcast_to(e2, (K, BLK))


def _encode_body(x_ref, w_in_ref, b_in_ref, cb_ref, e2_ref, idx_ref, z_ref):
    xb = x_ref[0]
    z = lax.dot_general(w_in_ref[...], xb,
                        (((1,), (0,)), ((), ())), precision=_PREC)
    z = z + b_in_ref[...]
    z_ref[0] = z
    cb = cb_ref[...]
    s2 = lax.dot_general(cb, z + z,
                         (((1,), (0,)), ((), ())), precision=_PREC)
    z2 = jnp.sum(z * z, axis=0, keepdims=True)
    dist = (z2 - s2) + e2_ref[...]
    idx = jnp.argmin(dist, axis=0).astype(jnp.int32)[None, None]
    idx_ref[...] = idx


def _decode_body(q_ref, w_out_ref, b_out_ref, mask_ref, z_ref,
                 out_ref, loss_ref):
    g = pl.program_id(0)
    qb = q_ref[0][:, :DVQ]
    out = lax.dot_general(w_out_ref[...], qb,
                          (((1,), (1,)), ((), ())), precision=_PREC)
    out_ref[0] = (out + b_out_ref[...]) * mask_ref[0]
    z = z_ref[0]
    cross = lax.dot_general(qb, z, (((0,), (1,)), ((), ())),
                            precision=lax.Precision.HIGHEST)
    eye = (lax.broadcasted_iota(jnp.int32, (DVQ, DVQ), 0)
           == lax.broadcasted_iota(jnp.int32, (DVQ, DVQ), 1))
    part = (jnp.sum(qb * qb) + jnp.sum(z * z)
            - 2.0 * jnp.sum(jnp.where(eye, cross, 0.0)))
    prev = jnp.where(g == 0, 0.0, loss_ref[0, 0])
    loss_ref[0, 0] = prev + part


_NC, _NS = 2, 16
_NW = _NC * _NS
_CHUNK = 128


@functools.cache
def _build_gather(rows):
    rows_w = rows // _NW
    nch = rows_w // _CHUNK
    mesh = plsc.VectorSubcoreMesh(core_axis_name="c", subcore_axis_name="s",
                                  num_cores=_NC, num_subcores=_NS)

    @functools.partial(
        pl.kernel,
        mesh=mesh,
        out_type=jax.ShapeDtypeStruct((rows, 128), jnp.float32),
        scratch_types=[
            pltpu.VMEM((nch, _CHUNK), jnp.int32),
            pltpu.VMEM((3, _CHUNK, 128), jnp.float32),
            pltpu.SemaphoreType.DMA,
            pltpu.SemaphoreType.DMA,
            pltpu.SemaphoreType.DMA,
            pltpu.SemaphoreType.DMA,
            pltpu.SemaphoreType.DMA,
            pltpu.SemaphoreType.DMA,
        ],
    )
    def _gather_body(cb_hbm, idx_hbm, q_hbm, idx_v, rows_v, *sems):
        wid = lax.axis_index("s") * _NC + lax.axis_index("c")
        gsem, ssem = sems[:3], sems[3:]
        pltpu.sync_copy(idx_hbm.at[pl.ds(wid * nch, nch)], idx_v)
        gathers = [
            pltpu.async_copy(cb_hbm.at[idx_v.at[j]], rows_v.at[j % 3],
                             gsem[j % 3])
            for j in range(min(2, nch))
        ]
        scatters = [None, None, None]
        for j in range(nch):
            gathers[j].wait()
            scatters[j % 3] = pltpu.async_copy(
                rows_v.at[j % 3],
                q_hbm.at[pl.ds(wid * rows_w + j * _CHUNK, _CHUNK)],
                ssem[j % 3])
            nxt = j + 2
            if nxt < nch:
                b = nxt % 3
                if scatters[b] is not None:
                    scatters[b].wait()
                    scatters[b] = None
                gathers.append(
                    pltpu.async_copy(cb_hbm.at[idx_v.at[nxt]],
                                     rows_v.at[b], gsem[b]))
        for s in scatters:
            if s is not None:
                s.wait()

    return _gather_body


def _encode(x, W_in, b_in, codebook, e2b):
    nb = x.shape[0]
    nstep = nb * T // BLK
    return pl.pallas_call(
        _encode_body,
        grid=(nstep,),
        in_specs=[
            pl.BlockSpec((1, C_IN, BLK), lambda g: (g // NT, 0, g % NT)),
            pl.BlockSpec((DVQ, C_IN), lambda g: (0, 0)),
            pl.BlockSpec((DVQ, 1), lambda g: (0, 0)),
            pl.BlockSpec((K, DVQ), lambda g: (0, 0)),
            pl.BlockSpec((K, BLK), lambda g: (0, 0)),
        ],
        out_specs=[
            pl.BlockSpec((1, 1, BLK), lambda g: (g, 0, 0)),
            pl.BlockSpec((1, DVQ, BLK), lambda g: (g, 0, 0)),
        ],
        out_shape=[
            jax.ShapeDtypeStruct((nstep, 1, BLK), jnp.int32),
            jax.ShapeDtypeStruct((nstep, DVQ, BLK), jnp.float32),
        ],
        compiler_params=pltpu.CompilerParams(
            dimension_semantics=("arbitrary",)),
    )(x, W_in, b_in.reshape(DVQ, 1), codebook, e2b)


def _decode(q, W_out, b_out, x_mask, z):
    nb = x_mask.shape[0]
    nstep = nb * T // BLK
    return pl.pallas_call(
        _decode_body,
        grid=(nstep,),
        in_specs=[
            pl.BlockSpec((1, BLK, 128), lambda g: (g, 0, 0)),
            pl.BlockSpec((C_IN, DVQ), lambda g: (0, 0)),
            pl.BlockSpec((C_IN, 1), lambda g: (0, 0)),
            pl.BlockSpec((1, 1, BLK), lambda g: (g // NT, 0, g % NT)),
            pl.BlockSpec((1, DVQ, BLK), lambda g: (g, 0, 0)),
        ],
        out_specs=[
            pl.BlockSpec((1, C_IN, BLK), lambda g: (g // NT, 0, g % NT)),
            pl.BlockSpec(memory_space=pltpu.SMEM, block_shape=(1, 1),
                         index_map=lambda g: (0, 0)),
        ],
        out_shape=[
            jax.ShapeDtypeStruct((nb, C_IN, T), jnp.float32),
            jax.ShapeDtypeStruct((1, 1), jnp.float32),
        ],
        compiler_params=pltpu.CompilerParams(
            dimension_semantics=("arbitrary",)),
    )(q.reshape(nstep, BLK, 128), W_out, b_out.reshape(C_IN, 1), x_mask, z)


def _gather_codebook(cb_pad, idx2):
    return _build_gather(idx2.size)(cb_pad, idx2)


def kernel(x, x_mask, W_in, b_in, codebook, W_out, b_out):
    e2b = pl.pallas_call(
        _e2_body,
        in_specs=[pl.BlockSpec((K, DVQ), lambda: (0, 0))],
        out_specs=pl.BlockSpec((K, BLK), lambda: (0, 0)),
        out_shape=jax.ShapeDtypeStruct((K, BLK), jnp.float32),
    )(codebook)
    cb_pad = jnp.pad(codebook, ((0, 0), (0, 128 - DVQ)))
    rows_c = BC * T
    idxs, qs, zs, outs, losses = [], [], [], [], []
    for c in range(NCHUNKS):
        xc = x[c * BC:(c + 1) * BC]
        idx2, zc = _encode(xc, W_in, b_in, codebook, e2b)
        idxs.append(idx2)
        zs.append(zc)
        qs.append(_gather_codebook(
            cb_pad, idx2.reshape(rows_c // _CHUNK, _CHUNK)))
    for c in range(NCHUNKS):
        outc, loss_sum = _decode(qs[c], W_out, b_out,
                                 x_mask[c * BC:(c + 1) * BC], zs[c])
        outs.append(outc)
        losses.append(loss_sum[0, 0])
    out = jnp.concatenate(outs, axis=0)
    indices = jnp.concatenate([i.reshape(BC, T) for i in idxs], axis=0)
    loss = sum(losses) / jnp.float32(B * T * DVQ)
    return (out, indices, loss)

# --- scband reference (transcript-rebuilt; emitter-appended) ---
"""Pipeline reference for scband-vqencoder-11476152615504 (READ-ONLY COPY).

The authoritative reference and input builder live on the scoring server;
editing this copy changes nothing except your own understanding.
"""

import jax, jax.numpy as jnp
import numpy as np

B, C_IN, T = 16, 256, 2048
DVQ, K = 32, 8192

def setup_inputs(seed: int = 0) -> dict:
    key = jax.random.key(seed)
    ks = jax.random.split(key, 6)
    x = jax.random.normal(ks[0], (B, C_IN, T), dtype=jnp.float32)
    x_mask = jnp.ones((B, 1, T), dtype=jnp.float32)
    # conv_in: kernel_size=downsample=1, stride=1 -> pointwise linear [Dvq, C_in]
    W_in = jax.random.normal(ks[1], (DVQ, C_IN), dtype=jnp.float32) * (1.0 / np.sqrt(C_IN))
    b_in = jnp.zeros((DVQ,), dtype=jnp.float32)
    # EMA codebook of VectorQuantize (codebook_size=8192, dim=32)
    codebook = jax.random.normal(ks[2], (K, DVQ), dtype=jnp.float32)
    # conv_out: Identity upsample (downsample=1) + Conv1d kernel 1 -> pointwise linear [C_in, Dvq]
    W_out = jax.random.normal(ks[3], (C_IN, DVQ), dtype=jnp.float32) * (1.0 / np.sqrt(DVQ))
    b_out = jnp.zeros((C_IN,), dtype=jnp.float32)
    return {"x": x, "x_mask": x_mask, "W_in": W_in, "b_in": b_in,
            "codebook": codebook, "W_out": W_out, "b_out": b_out}

def reference(x, x_mask, W_in, b_in, codebook, W_out, b_out):
    # downsample=1 so x_len % downsample == 0, no padding branch
    # conv_in (1x1 conv over channels)
    h = jnp.einsum('oc,bct->bot', W_in, x) + b_in[None, :, None]   # [B, Dvq, T]
    z = jnp.transpose(h, (0, 2, 1))                                 # x.mT -> [B, T, Dvq]
    # VectorQuantize: euclidean distance to codebook, argmin, gather
    z2 = jnp.sum(z * z, axis=-1, keepdims=True)                     # [B, T, 1]
    e2 = jnp.sum(codebook * codebook, axis=-1)                      # [K]
    dist = z2 - 2.0 * jnp.einsum('btd,kd->btk', z, codebook) + e2[None, None, :]
    indices = jnp.argmin(dist, axis=-1)                             # [B, T] int
    q = jnp.take(codebook, indices, axis=0)                         # gather [B, T, Dvq]
    # commitment loss (commitment_weight=1.0)
    loss = jnp.mean((jax.lax.stop_gradient(q) - z) ** 2)
    # straight-through estimator
    q_st = z + jax.lax.stop_gradient(q - z)
    qT = jnp.transpose(q_st, (0, 2, 1))                             # q.mT -> [B, Dvq, T]
    out = (jnp.einsum('oc,bct->bot', W_out, qT) + b_out[None, :, None]) * x_mask
    out = out[:, :, :T]
    return (out, indices, loss)

if __name__ == "__main__":
    import jax
    _d = setup_inputs()
    print(jax.jit(kernel)(*tuple(_d.values())))

</pallas_src>

<mosaic_0001>
#map = affine_map<(d0, d1) -> (0, 0)>
module attributes {stable_mosaic.version = 14 : i64} {
  func.func @_gather_body(%arg0: i32, %arg1: i32, %arg2: memref<8192x128xf32, #tpu.memory_space<hbm>>, %arg3: memref<256x128xi32, #tpu.memory_space<hbm>>, %arg4: memref<32768x128xf32, #tpu.memory_space<hbm>>, %arg5: memref<8x128xi32, #tpu.memory_space<vmem>>, %arg6: memref<3x128x128xf32, #tpu.memory_space<vmem>>, %arg7: memref<!tpu.dma_semaphore, #tpu.memory_space<semaphore_mem>>, %arg8: memref<!tpu.dma_semaphore, #tpu.memory_space<semaphore_mem>>, %arg9: memref<!tpu.dma_semaphore, #tpu.memory_space<semaphore_mem>>, %arg10: memref<!tpu.dma_semaphore, #tpu.memory_space<semaphore_mem>>, %arg11: memref<!tpu.dma_semaphore, #tpu.memory_space<semaphore_mem>>, %arg12: memref<!tpu.dma_semaphore, #tpu.memory_space<semaphore_mem>>) attributes {dimension_semantics = [#tpu.dimension_semantics<core_parallel>, #tpu.dimension_semantics<subcore_parallel>], iteration_bounds = array<i64: 2, 16>, scalar_prefetch = 0 : i64, scratch_operands = 8 : i64, tpu.core_type = #tpu.core_type<sc_vector_subcore>, window_params = [{transform_indices = #map}, {transform_indices = #map}, {transform_indices = #map}]} {
    %mul3A = arith.constant 2 : i32
    %mul3A_0 = arith.muli %arg1, %mul3A : i32
    %add3A = arith.addi %mul3A_0, %arg0 : i32
    %mul3A_1 = arith.constant 8 : i32
    %mul3A_2 = arith.muli %add3A, %mul3A_1 : i32
    "tpu.region"() ({
      %run_scoped3A = tpu.sem_alloc : memref<!tpu.dma_semaphore, #tpu.memory_space<semaphore_mem>>
      %dma_start3A_433 = arith.constant 0 : i32
      %dma_start3A_434 = tpu.memref_slice %arg3[%mul3A_2, %dma_start3A_433] : memref<256x128xi32, #tpu.memory_space<hbm>> -> memref<8x128xi32, #tpu.memory_space<hbm>>
      %dma_start3A_435 = arith.constant 0 : i32
      %dma_start3A_436 = tpu.memref_slice %arg3[%mul3A_2, %dma_start3A_435] : memref<256x128xi32, #tpu.memory_space<hbm>> -> memref<8x128xi32, #tpu.memory_space<hbm>>
      tpu.enqueue_dma source(%dma_start3A_436 : memref<8x128xi32, #tpu.memory_space<hbm>>) target(%arg5 : memref<8x128xi32, #tpu.memory_space<vmem>>) target_semaphore(%run_scoped3A : memref<!tpu.dma_semaphore, #tpu.memory_space<semaphore_mem>>)
      %dma_wait3A_437 = arith.constant 0 : i32
      %dma_wait3A_438 = tpu.memref_slice %arg3[%mul3A_2, %dma_wait3A_437] : memref<256x128xi32, #tpu.memory_space<hbm>> -> memref<8x128xi32, #tpu.memory_space<hbm>>
      %dma_wait3A_439 = arith.constant 0 : i32
      %dma_wait3A_440 = tpu.memref_slice %arg3[%mul3A_2, %dma_wait3A_439] : memref<256x128xi32, #tpu.memory_space<hbm>> -> memref<8x128xi32, #tpu.memory_space<hbm>>
      tpu.wait_dma2 semaphore(%run_scoped3A : memref<!tpu.dma_semaphore, #tpu.memory_space<semaphore_mem>>) src(%dma_wait3A_440 : memref<8x128xi32, #tpu.memory_space<hbm>>) dst(%arg5 : memref<8x128xi32, #tpu.memory_space<vmem>>)
      tpu.yield
    }) : () -> ()
    %dma_start3A = arith.constant 0 : i32
    %dma_start3A_3 = arith.constant 0 : i32
    %dma_start3A_4 = arith.constant 0 : i32
    %dma_start3A_5 = arith.constant 0 : i32
    %dma_start3A_6 = tpu.memref_slice %arg6[%dma_start3A_3, %dma_start3A_4, %dma_start3A_5] : memref<3x128x128xf32, #tpu.memory_space<vmem>> -> memref<1x128x128xf32, #tpu.memory_space<vmem>>
    %dma_start3A_7 = tpu.memref_squeeze %dma_start3A_6 : memref<1x128x128xf32, #tpu.memory_space<vmem>> -> memref<128x128xf32, #tpu.memory_space<vmem>>
    %dma_start3A_8 = arith.constant 0 : i32
    %dma_start3A_9 = tpu.memref_slice %arg5[%dma_start3A, %dma_start3A_8] : memref<8x128xi32, #tpu.memory_space<vmem>> -> memref<1x128xi32, #tpu.memory_space<vmem>>
    %dma_start3A_10 = tpu.memref_squeeze %dma_start3A_9 : memref<1x128xi32, #tpu.memory_space<vmem>> -> memref<128xi32, #tpu.memory_space<vmem>>
    %dma_start3A_11 = arith.constant 0 : i32
    %dma_start3A_12 = arith.constant 0 : i32
    %dma_start3A_13 = tpu.memref_slice %arg2[%dma_start3A_11, %dma_start3A_12] : memref<8192x128xf32, #tpu.memory_space<hbm>> -> memref<8192x128xf32, #tpu.memory_space<hbm>>
    tpu.enqueue_indirect_dma source(%dma_start3A_13 : memref<8192x128xf32, #tpu.memory_space<hbm>>) target(%dma_start3A_7 : memref<128x128xf32, #tpu.memory_space<vmem>>) offsets(%dma_start3A_10 : memref<128xi32, #tpu.memory_space<vmem>>) semaphore(%arg7 : memref<!tpu.dma_semaphore, #tpu.memory_space<semaphore_mem>>)
    %dma_start3A_14 = arith.constant 1 : i32
    %dma_start3A_15 = arith.constant 1 : i32
    %dma_start3A_16 = arith.constant 0 : i32
    %dma_start3A_17 = arith.constant 0 : i32
    %dma_start3A_18 = tpu.memref_slice %arg6[%dma_start3A_15, %dma_start3A_16, %dma_start3A_17] : memref<3x128x128xf32, #tpu.memory_space<vmem>> -> memref<1x128x128xf32, #tpu.memory_space<vmem>>
    %dma_start3A_19 = tpu.memref_squeeze %dma_start3A_18 : memref<1x128x128xf32, #tpu.memory_space<vmem>> -> memref<128x128xf32, #tpu.memory_space<vmem>>
    %dma_start3A_20 = arith.constant 0 : i32
    %dma_start3A_21 = tpu.memref_slice %arg5[%dma_start3A_14, %dma_start3A_20] : memref<8x128xi32, #tpu.memory_space<vmem>> -> memref<1x128xi32, #tpu.memory_space<vmem>>
    %dma_start3A_22 = tpu.memref_squeeze %dma_start3A_21 : memref<1x128xi32, #tpu.memory_space<vmem>> -> memref<128xi32, #tpu.memory_space<vmem>>
    %dma_start3A_23 = arith.constant 0 : i32
    %dma_start3A_24 = arith.constant 0 : i32
    %dma_start3A_25 = tpu.memref_slice %arg2[%dma_start3A_23, %dma_start3A_24] : memref<8192x128xf32, #tpu.memory_space<hbm>> -> memref<8192x128xf32, #tpu.memory_space<hbm>>
    tpu.enqueue_indirect_dma source(%dma_start3A_25 : memref<8192x128xf32, #tpu.memory_space<hbm>>) target(%dma_start3A_19 : memref<128x128xf32, #tpu.memory_space<vmem>>) offsets(%dma_start3A_22 : memref<128xi32, #tpu.memory_space<vmem>>) semaphore(%arg8 : memref<!tpu.dma_semaphore, #tpu.memory_space<semaphore_mem>>)
    %dma_wait3A = arith.constant 0 : i32
    %dma_wait3A_26 = arith.constant 0 : i32
    %dma_wait3A_27 = arith.constant 0 : i32
    %dma_wait3A_28 = arith.constant 0 : i32
    %dma_wait3A_29 = tpu.memref_slice %arg6[%dma_wait3A_26, %dma_wait3A_27, %dma_wait3A_28] : memref<3x128x128xf32, #tpu.memory_space<vmem>> -> memref<1x128x128xf32, #tpu.memory_space<vmem>>
    %dma_wait3A_30 = tpu.memref_squeeze %dma_wait3A_29 : memref<1x128x128xf32, #tpu.memory_space<vmem>> -> memref<128x128xf32, #tpu.memory_space<vmem>>
    %dma_wait3A_31 = arith.constant 0 : i32
    %dma_wait3A_32 = tpu.memref_slice %arg5[%dma_wait3A, %dma_wait3A_31] : memref<8x128xi32, #tpu.memory_space<vmem>> -> memref<1x128xi32, #tpu.memory_space<vmem>>
    %dma_wait3A_33 = tpu.memref_squeeze %dma_wait3A_32 : memref<1x128xi32, #tpu.memory_space<vmem>> -> memref<128xi32, #tpu.memory_space<vmem>>
    %dma_wait3A_34 = arith.constant 0 : i32
    %dma_wait3A_35 = arith.constant 0 : i32
    %dma_wait3A_36 = tpu.memref_slice %arg2[%dma_wait3A_34, %dma_wait3A_35] : memref<8192x128xf32, #tpu.memory_space<hbm>> -> memref<8192x128xf32, #tpu.memory_space<hbm>>
    tpu.wait_indirect_dma semaphore(%arg7 : memref<!tpu.dma_semaphore, #tpu.memory_space<semaphore_mem>>) src(%dma_wait3A_36 : memref<8192x128xf32, #tpu.memory_space<hbm>>) dst(%dma_wait3A_30 : memref<128x128xf32, #tpu.memory_space<vmem>>)
    %mul3A_37 = arith.constant 1024 : i32
    %mul3A_38 = arith.muli %add3A, %mul3A_37 : i32
    %add3A_39 = arith.constant 0 : i32
    %add3A_40 = arith.addi %mul3A_38, %add3A_39 : i32
    %dma_start3A_41 = arith.constant 0 : i32
    %dma_start3A_42 = arith.constant 0 : i32
    %dma_start3A_43 = arith.constant 0 : i32
    %dma_start3A_44 = tpu.memref_slice %arg6[%dma_start3A_41, %dma_start3A_42, %dma_start3A_43] : memref<3x128x128xf32, #tpu.memory_space<vmem>> -> memref<1x128x128xf32, #tpu.memory_space<vmem>>
    %dma_start3A_45 = tpu.memref_squeeze %dma_start3A_44 : memref<1x128x128xf32, #tpu.memory_space<vmem>> -> memref<128x128xf32, #tpu.memory_space<vmem>>
    %dma_start3A_46 = arith.constant 0 : i32
    %dma_start3A_47 = tpu.memref_slice %arg4[%add3A_40, %dma_start3A_46] : memref<32768x128xf32, #tpu.memory_space<hbm>> -> memref<128x128xf32, #tpu.memory_space<hbm>>
    %dma_start3A_48 = arith.constant 0 : i32
    %dma_start3A_49 = tpu.memref_slice %arg4[%add3A_40, %dma_start3A_48] : memref<32768x128xf32, #tpu.memory_space<hbm>> -> memref<128x128xf32, #tpu.memory_space<hbm>>
    %dma_start3A_50 = arith.constant 0 : i32
    %dma_start3A_51 = arith.constant 0 : i32
    %dma_start3A_52 = tpu.memref_slice %arg6[%dma_start3A_41, %dma_start3A_50, %dma_start3A_51] : memref<3x128x128xf32, #tpu.memory_space<vmem>> -> memref<1x128x128xf32, #tpu.memory_space<vmem>>
    %dma_start3A_53 = tpu.memref_squeeze %dma_start3A_52 : memref<1x128x128xf32, #tpu.memory_space<vmem>> -> memref<128x128xf32, #tpu.memory_space<vmem>>
    tpu.enqueue_dma source(%dma_start3A_53 : memref<128x128xf32, #tpu.memory_space<vmem>>) target(%dma_start3A_49 : memref<128x128xf32, #tpu.memory_space<hbm>>) target_semaphore(%arg10 : memref<!tpu.dma_semaphore, #tpu.memory_space<semaphore_mem>>)
    %dma_start3A_54 = arith.constant 2 : i32
    %dma_start3A_55 = arith.constant 2 : i32
    %dma_start3A_56 = arith.constant 0 : i32
    %dma_start3A_57 = arith.constant 0 : i32
    %dma_start3A_58 = tpu.memref_slice %arg6[%dma_start3A_55, %dma_start3A_56, %dma_start3A_57] : memref<3x128x128xf32, #tpu.memory_space<vmem>> -> memref<1x128x128xf32, #tpu.memory_space<vmem>>
    %dma_start3A_59 = tpu.memref_squeeze %dma_start3A_58 : memref<1x128x128xf32, #tpu.memory_space<vmem>> -> memref<128x128xf32, #tpu.memory_space<vmem>>
    %dma_start3A_60 = arith.constant 0 : i32
    %dma_start3A_61 = tpu.memref_slice %arg5[%dma_start3A_54, %dma_start3A_60] : memref<8x128xi32, #tpu.memory_space<vmem>> -> memref<1x128xi32, #tpu.memory_space<vmem>>
    %dma_start3A_62 = tpu.memref_squeeze %dma_start3A_61 : memref<1x128xi32, #tpu.memory_space<vmem>> -> memref<128xi32, #tpu.memory_space<vmem>>
    %dma_start3A_63 = arith.constant 0 : i32
    %dma_start3A_64 = arith.constant 0 : i32
    %dma_start3A_65 = tpu.memref_slice %arg2[%dma_start3A_63, %dma_start3A_64] : memref<8192x128xf32, #tpu.memory_space<hbm>> -> memref<8192x128xf32, #tpu.memory_space<hbm>>
    tpu.enqueue_indirect_dma source(%dma_start3A_65 : memref<8192x128xf32, #tpu.memory_space<hbm>>) target(%dma_start3A_59 : memref<128x128xf32, #tpu.memory_space<vmem>>) offsets(%dma_start3A_62 : memref<128xi32, #tpu.memory_space<vmem>>) semaphore(%arg9 : memref<!tpu.dma_semaphore, #tpu.memory_space<semaphore_mem>>)
    %dma_wait3A_66 = arith.constant 1 : i32
    %dma_wait3A_67 = arith.constant 1 : i32
    %dma_wait3A_68 = arith.constant 0 : i32
    %dma_wait3A_69 = arith.constant 0 : i32
    %dma_wait3A_70 = tpu.memref_slice %arg6[%dma_wait3A_67, %dma_wait3A_68, %dma_wait3A_69] : memref<3x128x128xf32, #tpu.memory_space<vmem>> -> memref<1x128x128xf32, #tpu.memory_space<vmem>>
    %dma_wait3A_71 = tpu.memref_squeeze %dma_wait3A_70 : memref<1x128x128xf32, #tpu.memory_space<vmem>> -> memref<128x128xf32, #tpu.memory_space<vmem>>
    %dma_wait3A_72 = arith.constant 0 : i32
    %dma_wait3A_73 = tpu.memref_slice %arg5[%dma_wait3A_66, %dma_wait3A_72] : memref<8x128xi32, #tpu.memory_space<vmem>> -> memref<1x128xi32, #tpu.memory_space<vmem>>
    %dma_wait3A_74 = tpu.memref_squeeze %dma_wait3A_73 : memref<1x128xi32, #tpu.memory_space<vmem>> -> memref<128xi32, #tpu.memory_space<vmem>>
    %dma_wait3A_75 = arith.constant 0 : i32
    %dma_wait3A_76 = arith.constant 0 : i32
    %dma_wait3A_77 = tpu.memref_slice %arg2[%dma_wait3A_75, %dma_wait3A_76] : memref<8192x128xf32, #tpu.memory_space<hbm>> -> memref<8192x128xf32, #tpu.memory_space<hbm>>
    tpu.wait_indirect_dma semaphore(%arg8 : memref<!tpu.dma_semaphore, #tpu.memory_space<semaphore_mem>>) src(%dma_wait3A_77 : memref<8192x128xf32, #tpu.memory_space<hbm>>) dst(%dma_wait3A_71 : memref<128x128xf32, #tpu.memory_space<vmem>>)
    %mul3A_78 = arith.constant 1024 : i32
    %mul3A_79 = arith.muli %add3A, %mul3A_78 : i32
    %add3A_80 = arith.constant 128 : i32
    %add3A_81 = arith.addi %mul3A_79, %add3A_80 : i32
    %dma_start3A_82 = arith.constant 1 : i32
    %dma_start3A_83 = arith.constant 0 : i32
    %dma_start3A_84 = arith.constant 0 : i32
    %dma_start3A_85 = tpu.memref_slice %arg6[%dma_start3A_82, %dma_start3A_83, %dma_start3A_84] : memref<3x128x128xf32, #tpu.memory_space<vmem>> -> memref<1x128x128xf32, #tpu.memory_space<vmem>>
    %dma_start3A_86 = tpu.memref_squeeze %dma_start3A_85 : memref<1x128x128xf32, #tpu.memory_space<vmem>> -> memref<128x128xf32, #tpu.memory_space<vmem>>
    %dma_start3A_87 = arith.constant 0 : i32
    %dma_start3A_88 = tpu.memref_slice %arg4[%add3A_81, %dma_start3A_87] : memref<32768x128xf32, #tpu.memory_space<hbm>> -> memref<128x128xf32, #tpu.memory_space<hbm>>
    %dma_start3A_89 = arith.constant 0 : i32
    %dma_start3A_90 = tpu.memref_slice %arg4[%add3A_81, %dma_start3A_89] : memref<32768x128xf32, #tpu.memory_space<hbm>> -> memref<128x128xf32, #tpu.memory_space<hbm>>
    %dma_start3A_91 = arith.constant 0 : i32
    %dma_start3A_92 = arith.constant 0 : i32
    %dma_start3A_93 = tpu.memref_slice %arg6[%dma_start3A_82, %dma_start3A_91, %dma_start3A_92] : memref<3x128x128xf32, #tpu.memory_space<vmem>> -> memref<1x128x128xf32, #tpu.memory_space<vmem>>
    %dma_start3A_94 = tpu.memref_squeeze %dma_start3A_93 : memref<1x128x128xf32, #tpu.memory_space<vmem>> -> memref<128x128xf32, #tpu.memory_space<vmem>>
    tpu.enqueue_dma source(%dma_start3A_94 : memref<128x128xf32, #tpu.memory_space<vmem>>) target(%dma_start3A_90 : memref<128x128xf32, #tpu.memory_space<hbm>>) target_semaphore(%arg11 : memref<!tpu.dma_semaphore, #tpu.memory_space<semaphore_mem>>)
    %dma_wait3A_95 = arith.constant 0 : i32
    %dma_wait3A_96 = arith.constant 0 : i32
    %dma_wait3A_97 = arith.constant 0 : i32
    %dma_wait3A_98 = tpu.memref_slice %arg6[%dma_wait3A_95, %dma_wait3A_96, %dma_wait3A_97] : memref<3x128x128xf32, #tpu.memory_space<vmem>> -> memref<1x128x128xf32, #tpu.memory_space<vmem>>
    %dma_wait3A_99 = tpu.memref_squeeze %dma_wait3A_98 : memref<1x128x128xf32, #tpu.memory_space<vmem>> -> memref<128x128xf32, #tpu.memory_space<vmem>>
    %dma_wait3A_100 = arith.constant 0 : i32
    %dma_wait3A_101 = tpu.memref_slice %arg4[%add3A_40, %dma_wait3A_100] : memref<32768x128xf32, #tpu.memory_space<hbm>> -> memref<128x128xf32, #tpu.memory_space<hbm>>
    %dma_wait3A_102 = arith.constant 0 : i32
    %dma_wait3A_103 = tpu.memref_slice %arg4[%add3A_40, %dma_wait3A_102] : memref<32768x128xf32, #tpu.memory_space<hbm>> -> memref<128x128xf32, #tpu.memory_space<hbm>>
    %dma_wait3A_104 = arith.constant 0 : i32
    %dma_wait3A_105 = arith.constant 0 : i32
    %dma_wait3A_106 = tpu.memref_slice %arg6[%dma_wait3A_95, %dma_wait3A_104, %dma_wait3A_105] : memref<3x128x128xf32, #tpu.memory_space<vmem>> -> memref<1x128x128xf32, #tpu.memory_space<vmem>>
    %dma_wait3A_107 = tpu.memref_squeeze %dma_wait3A_106 : memref<1x128x128xf32, #tpu.memory_space<vmem>> -> memref<128x128xf32, #tpu.memory_space<vmem>>
    tpu.wait_dma2 semaphore(%arg10 : memref<!tpu.dma_semaphore, #tpu.memory_space<semaphore_mem>>) src(%dma_wait3A_107 : memref<128x128xf32, #tpu.memory_space<vmem>>) dst(%dma_wait3A_103 : memref<128x128xf32, #tpu.memory_space<hbm>>)
    %dma_start3A_108 = arith.constant 3 : i32
    %dma_start3A_109 = arith.constant 0 : i32
    %dma_start3A_110 = arith.constant 0 : i32
    %dma_start3A_111 = arith.constant 0 : i32
    %dma_start3A_112 = tpu.memref_slice %arg6[%dma_start3A_109, %dma_start3A_110, %dma_start3A_111] : memref<3x128x128xf32, #tpu.memory_space<vmem>> -> memref<1x128x128xf32, #tpu.memory_space<vmem>>
    %dma_start3A_113 = tpu.memref_squeeze %dma_start3A_112 : memref<1x128x128xf32, #tpu.memory_space<vmem>> -> memref<128x128xf32, #tpu.memory_space<vmem>>
    %dma_start3A_114 = arith.constant 0 : i32
    %dma_start3A_115 = tpu.memref_slice %arg5[%dma_start3A_108, %dma_start3A_114] : memref<8x128xi32, #tpu.memory_space<vmem>> -> memref<1x128xi32, #tpu.memory_space<vmem>>
    %dma_start3A_116 = tpu.memref_squeeze %dma_start3A_115 : memref<1x128xi32, #tpu.memory_space<vmem>> -> memref<128xi32, #tpu.memory_space<vmem>>
    %dma_start3A_117 = arith.constant 0 : i32
    %dma_start3A_118 = arith.constant 0 : i32
    %dma_start3A_119 = tpu.memref_slice %arg2[%dma_start3A_117, %dma_start3A_118] : memref<8192x128xf32, #tpu.memory_space<hbm>> -> memref<8192x128xf32, #tpu.memory_space<hbm>>
    tpu.enqueue_indirect_dma source(%dma_start3A_119 : memref<8192x128xf32, #tpu.memory_space<hbm>>) target(%dma_start3A_113 : memref<128x128xf32, #tpu.memory_space<vmem>>) offsets(%dma_start3A_116 : memref<128xi32, #tpu.memory_space<vmem>>) semaphore(%arg7 : memref<!tpu.dma_semaphore, #tpu.memory_space<semaphore_mem>>)
    %dma_wait3A_120 = arith.constant 2 : i32
    %dma_wait3A_121 = arith.constant 2 : i32
    %dma_wait3A_122 = arith.constant 0 : i32
    %dma_wait3A_123 = arith.constant 0 : i32
    %dma_wait3A_124 = tpu.memref_slice %arg6[%dma_wait3A_121, %dma_wait3A_122, %dma_wait3A_123] : memref<3x128x128xf32, #tpu.memory_space<vmem>> -> memref<1x128x128xf32, #tpu.memory_space<vmem>>
    %dma_wait3A_125 = tpu.memref_squeeze %dma_wait3A_124 : memref<1x128x128xf32, #tpu.memory_space<vmem>> -> memref<128x128xf32, #tpu.memory_space<vmem>>
    %dma_wait3A_126 = arith.constant 0 : i32
    %dma_wait3A_127 = tpu.memref_slice %arg5[%dma_wait3A_120, %dma_wait3A_126] : memref<8x128xi32, #tpu.memory_space<vmem>> -> memref<1x128xi32, #tpu.memory_space<vmem>>
    %dma_wait3A_128 = tpu.memref_squeeze %dma_wait3A_127 : memref<1x128xi32, #tpu.memory_space<vmem>> -> memref<128xi32, #tpu.memory_space<vmem>>
    %dma_wait3A_129 = arith.constant 0 : i32
    %dma_wait3A_130 = arith.constant 0 : i32
    %dma_wait3A_131 = tpu.memref_slice %arg2[%dma_wait3A_129, %dma_wait3A_130] : memref<8192x128xf32, #tpu.memory_space<hbm>> -> memref<8192x128xf32, #tpu.memory_space<hbm>>
    tpu.wait_indirect_dma semaphore(%arg9 : memref<!tpu.dma_semaphore, #tpu.memory_space<semaphore_mem>>) src(%dma_wait3A_131 : memref<8192x128xf32, #tpu.memory_space<hbm>>) dst(%dma_wait3A_125 : memref<128x128xf32, #tpu.memory_space<vmem>>)
    %mul3A_132 = arith.constant 1024 : i32
    %mul3A_133 = arith.muli %add3A, %mul3A_132 : i32
    %add3A_134 = arith.constant 256 : i32
    %add3A_135 = arith.addi %mul3A_133, %add3A_134 : i32
    %dma_start3A_136 = arith.constant 2 : i32
    %dma_start3A_137 = arith.constant 0 : i32
    %dma_start3A_138 = arith.constant 0 : i32
    %dma_start3A_139 = tpu.memref_slice %arg6[%dma_start3A_136, %dma_start3A_137, %dma_start3A_138] : memref<3x128x128xf32, #tpu.memory_space<vmem>> -> memref<1x128x128xf32, #tpu.memory_space<vmem>>
    %dma_start3A_140 = tpu.memref_squeeze %dma_start3A_139 : memref<1x128x128xf32, #tpu.memory_space<vmem>> -> memref<128x128xf32, #tpu.memory_space<vmem>>
    %dma_start3A_141 = arith.constant 0 : i32
    %dma_start3A_142 = tpu.memref_slice %arg4[%add3A_135, %dma_start3A_141] : memref<32768x128xf32, #tpu.memory_space<hbm>> -> memref<128x128xf32, #tpu.memory_space<hbm>>
    %dma_start3A_143 = arith.constant 0 : i32
    %dma_start3A_144 = tpu.memref_slice %arg4[%add3A_135, %dma_start3A_143] : memref<32768x128xf32, #tpu.memory_space<hbm>> -> memref<128x128xf32, #tpu.memory_space<hbm>>
    %dma_start3A_145 = arith.constant 0 : i32
    %dma_start3A_146 = arith.constant 0 : i32
    %dma_start3A_147 = tpu.memref_slice %arg6[%dma_start3A_136, %dma_start3A_145, %dma_start3A_146] : memref<3x128x128xf32, #tpu.memory_space<vmem>> -> memref<1x128x128xf32, #tpu.memory_space<vmem>>
    %dma_start3A_148 = tpu.memref_squeeze %dma_start3A_147 : memref<1x128x128xf32, #tpu.memory_space<vmem>> -> memref<128x128xf32, #tpu.memory_space<vmem>>
    tpu.enqueue_dma source(%dma_start3A_148 : memref<128x128xf32, #tpu.memory_space<vmem>>) target(%dma_start3A_144 : memref<128x128xf32, #tpu.memory_space<hbm>>) target_semaphore(%arg12 : memref<!tpu.dma_semaphore, #tpu.memory_space<semaphore_mem>>)
    %dma_wait3A_149 = arith.constant 1 : i32
    %dma_wait3A_150 = arith.constant 0 : i32
    %dma_wait3A_151 = arith.constant 0 : i32
    %dma_wait3A_152 = tpu.memref_slice %arg6[%dma_wait3A_149, %dma_wait3A_150, %dma_wait3A_151] : memref<3x128x128xf32, #tpu.memory_space<vmem>> -> memref<1x128x128xf32, #tpu.memory_space<vmem>>
    %dma_wait3A_153 = tpu.memref_squeeze %dma_wait3A_152 : memref<1x128x128xf32, #tpu.memory_space<vmem>> -> memref<128x128xf32, #tpu.memory_space<vmem>>
    %dma_wait3A_154 = arith.constant 0 : i32
    %dma_wait3A_155 = tpu.memref_slice %arg4[%add3A_81, %dma_wait3A_154] : memref<32768x128xf32, #tpu.memory_space<hbm>> -> memref<128x128xf32, #tpu.memory_space<hbm>>
    %dma_wait3A_156 = arith.constant 0 : i32
    %dma_wait3A_157 = tpu.memref_slice %arg4[%add3A_81, %dma_wait3A_156] : memref<32768x128xf32, #tpu.memory_space<hbm>> -> memref<128x128xf32, #tpu.memory_space<hbm>>
    %dma_wait3A_158 = arith.constant 0 : i32
    %dma_wait3A_159 = arith.constant 0 : i32
    %dma_wait3A_160 = tpu.memref_slice %arg6[%dma_wait3A_149, %dma_wait3A_158, %dma_wait3A_159] : memref<3x128x128xf32, #tpu.memory_space<vmem>> -> memref<1x128x128xf32, #tpu.memory_space<vmem>>
    %dma_wait3A_161 = tpu.memref_squeeze %dma_wait3A_160 : memref<1x128x128xf32, #tpu.memory_space<vmem>> -> memref<128x128xf32, #tpu.memory_space<vmem>>
    tpu.wait_dma2 semaphore(%arg11 : memref<!tpu.dma_semaphore, #tpu.memory_space<semaphore_mem>>) src(%dma_wait3A_161 : memref<128x128xf32, #tpu.memory_space<vmem>>) dst(%dma_wait3A_157 : memref<128x128xf32, #tpu.memory_space<hbm>>)
    %dma_start3A_162 = arith.constant 4 : i32
    %dma_start3A_163 = arith.constant 1 : i32
    %dma_start3A_164 = arith.constant 0 : i32
    %dma_start3A_165 = arith.constant 0 : i32
    %dma_start3A_166 = tpu.memref_slice %arg6[%dma_start3A_163, %dma_start3A_164, %dma_start3A_165] : memref<3x128x128xf32, #tpu.memory_space<vmem>> -> memref<1x128x128xf32, #tpu.memory_space<vmem>>
    %dma_start3A_167 = tpu.memref_squeeze %dma_start3A_166 : memref<1x128x128xf32, #tpu.memory_space<vmem>> -> memref<128x128xf32, #tpu.memory_space<vmem>>
    %dma_start3A_168 = arith.constant 0 : i32
    %dma_start3A_169 = tpu.memref_slice %arg5[%dma_start3A_162, %dma_start3A_168] : memref<8x128xi32, #tpu.memory_space<vmem>> -> memref<1x128xi32, #tpu.memory_space<vmem>>
    %dma_start3A_170 = tpu.memref_squeeze %dma_start3A_169 : memref<1x128xi32, #tpu.memory_space<vmem>> -> memref<128xi32, #tpu.memory_space<vmem>>
    %dma_start3A_171 = arith.constant 0 : i32
    %dma_start3A_172 = arith.constant 0 : i32
    %dma_start3A_173 = tpu.memref_slice %arg2[%dma_start3A_171, %dma_start3A_172] : memref<8192x128xf32, #tpu.memory_space<hbm>> -> memref<8192x128xf32, #tpu.memory_space<hbm>>
    tpu.enqueue_indirect_dma source(%dma_start3A_173 : memref<8192x128xf32, #tpu.memory_space<hbm>>) target(%dma_start3A_167 : memref<128x128xf32, #tpu.memory_space<vmem>>) offsets(%dma_start3A_170 : memref<128xi32, #tpu.memory_space<vmem>>) semaphore(%arg8 : memref<!tpu.dma_semaphore, #tpu.memory_space<semaphore_mem>>)
    %dma_wait3A_174 = arith.constant 3 : i32
    %dma_wait3A_175 = arith.constant 0 : i32
    %dma_wait3A_176 = arith.constant 0 : i32
    %dma_wait3A_177 = arith.constant 0 : i32
    %dma_wait3A_178 = tpu.memref_slice %arg6[%dma_wait3A_175, %dma_wait3A_176, %dma_wait3A_177] : memref<3x128x128xf32, #tpu.memory_space<vmem>> -> memref<1x128x128xf32, #tpu.memory_space<vmem>>
    %dma_wait3A_179 = tpu.memref_squeeze %dma_wait3A_178 : memref<1x128x128xf32, #tpu.memory_space<vmem>> -> memref<128x128xf32, #tpu.memory_space<vmem>>
    %dma_wait3A_180 = arith.constant 0 : i32
    %dma_wait3A_181 = tpu.memref_slice %arg5[%dma_wait3A_174, %dma_wait3A_180] : memref<8x128xi32, #tpu.memory_space<vmem>> -> memref<1x128xi32, #tpu.memory_space<vmem>>
    %dma_wait3A_182 = tpu.memref_squeeze %dma_wait3A_181 : memref<1x128xi32, #tpu.memory_space<vmem>> -> memref<128xi32, #tpu.memory_space<vmem>>
    %dma_wait3A_183 = arith.constant 0 : i32
    %dma_wait3A_184 = arith.constant 0 : i32
    %dma_wait3A_185 = tpu.memref_slice %arg2[%dma_wait3A_183, %dma_wait3A_184] : memref<8192x128xf32, #tpu.memory_space<hbm>> -> memref<8192x128xf32, #tpu.memory_space<hbm>>
    tpu.wait_indirect_dma semaphore(%arg7 : memref<!tpu.dma_semaphore, #tpu.memory_space<semaphore_mem>>) src(%dma_wait3A_185 : memref<8192x128xf32, #tpu.memory_space<hbm>>) dst(%dma_wait3A_179 : memref<128x128xf32, #tpu.memory_space<vmem>>)
    %mul3A_186 = arith.constant 1024 : i32
    %mul3A_187 = arith.muli %add3A, %mul3A_186 : i32
    %add3A_188 = arith.constant 384 : i32
    %add3A_189 = arith.addi %mul3A_187, %add3A_188 : i32
    %dma_start3A_190 = arith.constant 0 : i32
    %dma_start3A_191 = arith.constant 0 : i32
    %dma_start3A_192 = arith.constant 0 : i32
    %dma_start3A_193 = tpu.memref_slice %arg6[%dma_start3A_190, %dma_start3A_191, %dma_start3A_192] : memref<3x128x128xf32, #tpu.memory_space<vmem>> -> memref<1x128x128xf32, #tpu.memory_space<vmem>>
    %dma_start3A_194 = tpu.memref_squeeze %dma_start3A_193 : memref<1x128x128xf32, #tpu.memory_space<vmem>> -> memref<128x128xf32, #tpu.memory_space<vmem>>
    %dma_start3A_195 = arith.constant 0 : i32
    %dma_start3A_196 = tpu.memref_slice %arg4[%add3A_189, %dma_start3A_195] : memref<32768x128xf32, #tpu.memory_space<hbm>> -> memref<128x128xf32, #tpu.memory_space<hbm>>
    %dma_start3A_197 = arith.constant 0 : i32
    %dma_start3A_198 = tpu.memref_slice %arg4[%add3A_189, %dma_start3A_197] : memref<32768x128xf32, #tpu.memory_space<hbm>> -> memref<128x128xf32, #tpu.memory_space<hbm>>
    %dma_start3A_199 = arith.constant 0 : i32
    %dma_start3A_200 = arith.constant 0 : i32
    %dma_start3A_201 = tpu.memref_slice %arg6[%dma_start3A_190, %dma_start3A_199, %dma_start3A_200] : memref<3x128x128xf32, #tpu.memory_space<vmem>> -> memref<1x128x128xf32, #tpu.memory_space<vmem>>
    %dma_start3A_202 = tpu.memref_squeeze %dma_start3A_201 : memref<1x128x128xf32, #tpu.memory_space<vmem>> -> memref<128x128xf32, #tpu.memory_space<vmem>>
    tpu.enqueue_dma source(%dma_start3A_202 : memref<128x128xf32, #tpu.memory_space<vmem>>) target(%dma_start3A_198 : memref<128x128xf32, #tpu.memory_space<hbm>>) target_semaphore(%arg10 : memref<!tpu.dma_semaphore, #tpu.memory_space<semaphore_mem>>)
    %dma_wait3A_203 = arith.constant 2 : i32
    %dma_wait3A_204 = arith.constant 0 : i32
    %dma_wait3A_205 = arith.constant 0 : i32
    %dma_wait3A_206 = tpu.memref_slice %arg6[%dma_wait3A_203, %dma_wait3A_204, %dma_wait3A_205] : memref<3x128x128xf32, #tpu.memory_space<vmem>> -> memref<1x128x128xf32, #tpu.memory_space<vmem>>
    %dma_wait3A_207 = tpu.memref_squeeze %dma_wait3A_206 : memref<1x128x128xf32, #tpu.memory_space<vmem>> -> memref<128x128xf32, #tpu.memory_space<vmem>>
    %dma_wait3A_208 = arith.constant 0 : i32
    %dma_wait3A_209 = tpu.memref_slice %arg4[%add3A_135, %dma_wait3A_208] : memref<32768x128xf32, #tpu.memory_space<hbm>> -> memref<128x128xf32, #tpu.memory_space<hbm>>
    %dma_wait3A_210 = arith.constant 0 : i32
    %dma_wait3A_211 = tpu.memref_slice %arg4[%add3A_135, %dma_wait3A_210] : memref<32768x128xf32, #tpu.memory_space<hbm>> -> memref<128x128xf32, #tpu.memory_space<hbm>>
    %dma_wait3A_212 = arith.constant 0 : i32
    %dma_wait3A_213 = arith.constant 0 : i32
    %dma_wait3A_214 = tpu.memref_slice %arg6[%dma_wait3A_203, %dma_wait3A_212, %dma_wait3A_213] : memref<3x128x128xf32, #tpu.memory_space<vmem>> -> memref<1x128x128xf32, #tpu.memory_space<vmem>>
    %dma_wait3A_215 = tpu.memref_squeeze %dma_wait3A_214 : memref<1x128x128xf32, #tpu.memory_space<vmem>> -> memref<128x128xf32, #tpu.memory_space<vmem>>
    tpu.wait_dma2 semaphore(%arg12 : memref<!tpu.dma_semaphore, #tpu.memory_space<semaphore_mem>>) src(%dma_wait3A_215 : memref<128x128xf32, #tpu.memory_space<vmem>>) dst(%dma_wait3A_211 : memref<128x128xf32, #tpu.memory_space<hbm>>)
    %dma_start3A_216 = arith.constant 5 : i32
    %dma_start3A_217 = arith.constant 2 : i32
    %dma_start3A_218 = arith.constant 0 : i32
    %dma_start3A_219 = arith.constant 0 : i32
    %dma_start3A_220 = tpu.memref_slice %arg6[%dma_start3A_217, %dma_start3A_218, %dma_start3A_219] : memref<3x128x128xf32, #tpu.memory_space<vmem>> -> memref<1x128x128xf32, #tpu.memory_space<vmem>>
    %dma_start3A_221 = tpu.memref_squeeze %dma_start3A_220 : memref<1x128x128xf32, #tpu.memory_space<vmem>> -> memref<128x128xf32, #tpu.memory_space<vmem>>
    %dma_start3A_222 = arith.constant 0 : i32
    %dma_start3A_223 = tpu.memref_slice %arg5[%dma_start3A_216, %dma_start3A_222] : memref<8x128xi32, #tpu.memory_space<vmem>> -> memref<1x128xi32, #tpu.memory_space<vmem>>
    %dma_start3A_224 = tpu.memref_squeeze %dma_start3A_223 : memref<1x128xi32, #tpu.memory_space<vmem>> -> memref<128xi32, #tpu.memory_space<vmem>>
    %dma_start3A_225 = arith.constant 0 : i32
    %dma_start3A_226 = arith.constant 0 : i32
    %dma_start3A_227 = tpu.memref_slice %arg2[%dma_start3A_225, %dma_start3A_226] : memref<8192x128xf32, #tpu.memory_space<hbm>> -> memref<8192x128xf32, #tpu.memory_space<hbm>>
    tpu.enqueue_indirect_dma source(%dma_start3A_227 : memref<8192x128xf32, #tpu.memory_space<hbm>>) target(%dma_start3A_221 : memref<128x128xf32, #tpu.memory_space<vmem>>) offsets(%dma_start3A_224 : memref<128xi32, #tpu.memory_space<vmem>>) semaphore(%arg9 : memref<!tpu.dma_semaphore, #tpu.memory_space<semaphore_mem>>)
    %dma_wait3A_228 = arith.constant 4 : i32
    %dma_wait3A_229 = arith.constant 1 : i32
    %dma_wait3A_230 = arith.constant 0 : i32
    %dma_wait3A_231 = arith.constant 0 : i32
    %dma_wait3A_232 = tpu.memref_slice %arg6[%dma_wait3A_229, %dma_wait3A_230, %dma_wait3A_231] : memref<3x128x128xf32, #tpu.memory_space<vmem>> -> memref<1x128x128xf32, #tpu.memory_space<vmem>>
    %dma_wait3A_233 = tpu.memref_squeeze %dma_wait3A_232 : memref<1x128x128xf32, #tpu.memory_space<vmem>> -> memref<128x128xf32, #tpu.memory_space<vmem>>
    %dma_wait3A_234 = arith.constant 0 : i32
    %dma_wait3A_235 = tpu.memref_slice %arg5[%dma_wait3A_228, %dma_wait3A_234] : memref<8x128xi32, #tpu.memory_space<vmem>> -> memref<1x128xi32, #tpu.memory_space<vmem>>
    %dma_wait3A_236 = tpu.memref_squeeze %dma_wait3A_235 : memref<1x128xi32, #tpu.memory_space<vmem>> -> memref<128xi32, #tpu.memory_space<vmem>>
    %dma_wait3A_237 = arith.constant 0 : i32
    %dma_wait3A_238 = arith.constant 0 : i32
    %dma_wait3A_239 = tpu.memref_slice %arg2[%dma_wait3A_237, %dma_wait3A_238] : memref<8192x128xf32, #tpu.memory_space<hbm>> -> memref<8192x128xf32, #tpu.memory_space<hbm>>
    tpu.wait_indirect_dma semaphore(%arg8 : memref<!tpu.dma_semaphore, #tpu.memory_space<semaphore_mem>>) src(%dma_wait3A_239 : memref<8192x128xf32, #tpu.memory_space<hbm>>) dst(%dma_wait3A_233 : memref<128x128xf32, #tpu.memory_space<vmem>>)
    %mul3A_240 = arith.constant 1024 : i32
    %mul3A_241 = arith.muli %add3A, %mul3A_240 : i32
    %add3A_242 = arith.constant 512 : i32
    %add3A_243 = arith.addi %mul3A_241, %add3A_242 : i32
    %dma_start3A_244 = arith.constant 1 : i32
    %dma_start3A_245 = arith.constant 0 : i32
    %dma_start3A_246 = arith.constant 0 : i32
    %dma_start3A_247 = tpu.memref_slice %arg6[%dma_start3A_244, %dma_start3A_245, %dma_start3A_246] : memref<3x128x128xf32, #tpu.memory_space<vmem>> -> memref<1x128x128xf32, #tpu.memory_space<vmem>>
    %dma_start3A_248 = tpu.memref_squeeze %dma_start3A_247 : memref<1x128x128xf32, #tpu.memory_space<vmem>> -> memref<128x128xf32, #tpu.memory_space<vmem>>
    %dma_start3A_249 = arith.constant 0 : i32
    %dma_start3A_250 = tpu.memref_slice %arg4[%add3A_243, %dma_start3A_249] : memref<32768x128xf32, #tpu.memory_space<hbm>> -> memref<128x128xf32, #tpu.memory_space<hbm>>
    %dma_start3A_251 = arith.constant 0 : i32
    %dma_start3A_252 = tpu.memref_slice %arg4[%add3A_243, %dma_start3A_251] : memref<32768x128xf32, #tpu.memory_space<hbm>> -> memref<128x128xf32, #tpu.memory_space<hbm>>
    %dma_start3A_253 = arith.constant 0 : i32
    %dma_start3A_254 = arith.constant 0 : i32
    %dma_start3A_255 = tpu.memref_slice %arg6[%dma_start3A_244, %dma_start3A_253, %dma_start3A_254] : memref<3x128x128xf32, #tpu.memory_space<vmem>> -> memref<1x128x128xf32, #tpu.memory_space<vmem>>
    %dma_start3A_256 = tpu.memref_squeeze %dma_start3A_255 : memref<1x128x128xf32, #tpu.memory_space<vmem>> -> memref<128x128xf32, #tpu.memory_space<vmem>>
    tpu.enqueue_dma source(%dma_start3A_256 : memref<128x128xf32, #tpu.memory_space<vmem>>) target(%dma_start3A_252 : memref<128x128xf32, #tpu.memory_space<hbm>>) target_semaphore(%arg11 : memref<!tpu.dma_semaphore, #tpu.memory_space<semaphore_mem>>)
    %dma_wait3A_257 = arith.constant 0 : i32
    %dma_wait3A_258 = arith.constant 0 : i32
    %dma_wait3A_259 = arith.constant 0 : i32
    %dma_wait3A_260 = tpu.memref_slice %arg6[%dma_wait3A_257, %dma_wait3A_258, %dma_wait3A_259] : memref<3x128x128xf32, #tpu.memory_space<vmem>> -> memref<1x128x128xf32, #tpu.memory_space<vmem>>
    %dma_wait3A_261 = tpu.memref_squeeze %dma_wait3A_260 : memref<1x128x128xf32, #tpu.memory_space<vmem>> -> memref<128x128xf32, #tpu.memory_space<vmem>>
    %dma_wait3A_262 = arith.constant 0 : i32
    %dma_wait3A_263 = tpu.memref_slice %arg4[%add3A_189, %dma_wait3A_262] : memref<32768x128xf32, #tpu.memory_space<hbm>> -> memref<128x128xf32, #tpu.memory_space<hbm>>
    %dma_wait3A_264 = arith.constant 0 : i32
    %dma_wait3A_265 = tpu.memref_slice %arg4[%add3A_189, %dma_wait3A_264] : memref<32768x128xf32, #tpu.memory_space<hbm>> -> memref<128x128xf32, #tpu.memory_space<hbm>>
    %dma_wait3A_266 = arith.constant 0 : i32
    %dma_wait3A_267 = arith.constant 0 : i32
    %dma_wait3A_268 = tpu.memref_slice %arg6[%dma_wait3A_257, %dma_wait3A_266, %dma_wait3A_267] : memref<3x128x128xf32, #tpu.memory_space<vmem>> -> memref<1x128x128xf32, #tpu.memory_space<vmem>>
    %dma_wait3A_269 = tpu.memref_squeeze %dma_wait3A_268 : memref<1x128x128xf32, #tpu.memory_space<vmem>> -> memref<128x128xf32, #tpu.memory_space<vmem>>
    tpu.wait_dma2 semaphore(%arg10 : memref<!tpu.dma_semaphore, #tpu.memory_space<semaphore_mem>>) src(%dma_wait3A_269 : memref<128x128xf32, #tpu.memory_space<vmem>>) dst(%dma_wait3A_265 : memref<128x128xf32, #tpu.memory_space<hbm>>)
    %dma_start3A_270 = arith.constant 6 : i32
    %dma_start3A_271 = arith.constant 0 : i32
    %dma_start3A_272 = arith.constant 0 : i32
    %dma_start3A_273 = arith.constant 0 : i32
    %dma_start3A_274 = tpu.memref_slice %arg6[%dma_start3A_271, %dma_start3A_272, %dma_start3A_273] : memref<3x128x128xf32, #tpu.memory_space<vmem>> -> memref<1x128x128xf32, #tpu.memory_space<vmem>>
    %dma_start3A_275 = tpu.memref_squeeze %dma_start3A_274 : memref<1x128x128xf32, #tpu.memory_space<vmem>> -> memref<128x128xf32, #tpu.memory_space<vmem>>
    %dma_start3A_276 = arith.constant 0 : i32
    %dma_start3A_277 = tpu.memref_slice %arg5[%dma_start3A_270, %dma_start3A_276] : memref<8x128xi32, #tpu.memory_space<vmem>> -> memref<1x128xi32, #tpu.memory_space<vmem>>
    %dma_start3A_278 = tpu.memref_squeeze %dma_start3A_277 : memref<1x128xi32, #tpu.memory_space<vmem>> -> memref<128xi32, #tpu.memory_space<vmem>>
    %dma_start3A_279 = arith.constant 0 : i32
    %dma_start3A_280 = arith.constant 0 : i32
    %dma_start3A_281 = tpu.memref_slice %arg2[%dma_start3A_279, %dma_start3A_280] : memref<8192x128xf32, #tpu.memory_space<hbm>> -> memref<8192x128xf32, #tpu.memory_space<hbm>>
    tpu.enqueue_indirect_dma source(%dma_start3A_281 : memref<8192x128xf32, #tpu.memory_space<hbm>>) target(%dma_start3A_275 : memref<128x128xf32, #tpu.memory_space<vmem>>) offsets(%dma_start3A_278 : memref<128xi32, #tpu.memory_space<vmem>>) semaphore(%arg7 : memref<!tpu.dma_semaphore, #tpu.memory_space<semaphore_mem>>)
    %dma_wait3A_282 = arith.constant 5 : i32
    %dma_wait3A_283 = arith.constant 2 : i32
    %dma_wait3A_284 = arith.constant 0 : i32
    %dma_wait3A_285 = arith.constant 0 : i32
    %dma_wait3A_286 = tpu.memref_slice %arg6[%dma_wait3A_283, %dma_wait3A_284, %dma_wait3A_285] : memref<3x128x128xf32, #tpu.memory_space<vmem>> -> memref<1x128x128xf32, #tpu.memory_space<vmem>>
    %dma_wait3A_287 = tpu.memref_squeeze %dma_wait3A_286 : memref<1x128x128xf32, #tpu.memory_space<vmem>> -> memref<128x128xf32, #tpu.memory_space<vmem>>
    %dma_wait3A_288 = arith.constant 0 : i32
    %dma_wait3A_289 = tpu.memref_slice %arg5[%dma_wait3A_282, %dma_wait3A_288] : memref<8x128xi32, #tpu.memory_space<vmem>> -> memref<1x128xi32, #tpu.memory_space<vmem>>
    %dma_wait3A_290 = tpu.memref_squeeze %dma_wait3A_289 : memref<1x128xi32, #tpu.memory_space<vmem>> -> memref<128xi32, #tpu.memory_space<vmem>>
    %dma_wait3A_291 = arith.constant 0 : i32
    %dma_wait3A_292 = arith.constant 0 : i32
    %dma_wait3A_293 = tpu.memref_slice %arg2[%dma_wait3A_291, %dma_wait3A_292] : memref<8192x128xf32, #tpu.memory_space<hbm>> -> memref<8192x128xf32, #tpu.memory_space<hbm>>
    tpu.wait_indirect_dma semaphore(%arg9 : memref<!tpu.dma_semaphore, #tpu.memory_space<semaphore_mem>>) src(%dma_wait3A_293 : memref<8192x128xf32, #tpu.memory_space<hbm>>) dst(%dma_wait3A_287 : memref<128x128xf32, #tpu.memory_space<vmem>>)
    %mul3A_294 = arith.constant 1024 : i32
    %mul3A_295 = arith.muli %add3A, %mul3A_294 : i32
    %add3A_296 = arith.constant 640 : i32
    %add3A_297 = arith.addi %mul3A_295, %add3A_296 : i32
    %dma_start3A_298 = arith.constant 2 : i32
    %dma_start3A_299 = arith.constant 0 : i32
    %dma_start3A_300 = arith.constant 0 : i32
    %dma_start3A_301 = tpu.memref_slice %arg6[%dma_start3A_298, %dma_start3A_299, %dma_start3A_300] : memref<3x128x128xf32, #tpu.memory_space<vmem>> -> memref<1x128x128xf32, #tpu.memory_space<vmem>>
    %dma_start3A_302 = tpu.memref_squeeze %dma_start3A_301 : memref<1x128x128xf32, #tpu.memory_space<vmem>> -> memref<128x128xf32, #tpu.memory_space<vmem>>
    %dma_start3A_303 = arith.constant 0 : i32
    %dma_start3A_304 = tpu.memref_slice %arg4[%add3A_297, %dma_start3A_303] : memref<32768x128xf32, #tpu.memory_space<hbm>> -> memref<128x128xf32, #tpu.memory_space<hbm>>
    %dma_start3A_305 = arith.constant 0 : i32
    %dma_start3A_306 = tpu.memref_slice %arg4[%add3A_297, %dma_start3A_305] : memref<32768x128xf32, #tpu.memory_space<hbm>> -> memref<128x128xf32, #tpu.memory_space<hbm>>
    %dma_start3A_307 = arith.constant 0 : i32
    %dma_start3A_308 = arith.constant 0 : i32
    %dma_start3A_309 = tpu.memref_slice %arg6[%dma_start3A_298, %dma_start3A_307, %dma_start3A_308] : memref<3x128x128xf32, #tpu.memory_space<vmem>> -> memref<1x128x128xf32, #tpu.memory_space<vmem>>
    %dma_start3A_310 = tpu.memref_squeeze %dma_start3A_309 : memref<1x128x128xf32, #tpu.memory_space<vmem>> -> memref<128x128xf32, #tpu.memory_space<vmem>>
    tpu.enqueue_dma source(%dma_start3A_310 : memref<128x128xf32, #tpu.memory_space<vmem>>) target(%dma_start3A_306 : memref<128x128xf32, #tpu.memory_space<hbm>>) target_semaphore(%arg12 : memref<!tpu.dma_semaphore, #tpu.memory_space<semaphore_mem>>)
    %dma_wait3A_311 = arith.constant 1 : i32
    %dma_wait3A_312 = arith.constant 0 : i32
    %dma_wait3A_313 = arith.constant 0 : i32
    %dma_wait3A_314 = tpu.memref_slice %arg6[%dma_wait3A_311, %dma_wait3A_312, %dma_wait3A_313] : memref<3x128x128xf32, #tpu.memory_space<vmem>> -> memref<1x128x128xf32, #tpu.memory_space<vmem>>
    %dma_wait3A_315 = tpu.memref_squeeze %dma_wait3A_314 : memref<1x128x128xf32, #tpu.memory_space<vmem>> -> memref<128x128xf32, #tpu.memory_space<vmem>>
    %dma_wait3A_316 = arith.constant 0 : i32
    %dma_wait3A_317 = tpu.memref_slice %arg4[%add3A_243, %dma_wait3A_316] : memref<32768x128xf32, #tpu.memory_space<hbm>> -> memref<128x128xf32, #tpu.memory_space<hbm>>
    %dma_wait3A_318 = arith.constant 0 : i32
    %dma_wait3A_319 = tpu.memref_slice %arg4[%add3A_243, %dma_wait3A_318] : memref<32768x128xf32, #tpu.memory_space<hbm>> -> memref<128x128xf32, #tpu.memory_space<hbm>>
    %dma_wait3A_320 = arith.constant 0 : i32
    %dma_wait3A_321 = arith.constant 0 : i32
    %dma_wait3A_322 = tpu.memref_slice %arg6[%dma_wait3A_311, %dma_wait3A_320, %dma_wait3A_321] : memref<3x128x128xf32, #tpu.memory_space<vmem>> -> memref<1x128x128xf32, #tpu.memory_space<vmem>>
    %dma_wait3A_323 = tpu.memref_squeeze %dma_wait3A_322 : memref<1x128x128xf32, #tpu.memory_space<vmem>> -> memref<128x128xf32, #tpu.memory_space<vmem>>
    tpu.wait_dma2 semaphore(%arg11 : memref<!tpu.dma_semaphore, #tpu.memory_space<semaphore_mem>>) src(%dma_wait3A_323 : memref<128x128xf32, #tpu.memory_space<vmem>>) dst(%dma_wait3A_319 : memref<128x128xf32, #tpu.memory_space<hbm>>)
    %dma_start3A_324 = arith.constant 7 : i32
    %dma_start3A_325 = arith.constant 1 : i32
    %dma_start3A_326 = arith.constant 0 : i32
    %dma_start3A_327 = arith.constant 0 : i32
    %dma_start3A_328 = tpu.memref_slice %arg6[%dma_start3A_325, %dma_start3A_326, %dma_start3A_327] : memref<3x128x128xf32, #tpu.memory_space<vmem>> -> memref<1x128x128xf32, #tpu.memory_space<vmem>>
    %dma_start3A_329 = tpu.memref_squeeze %dma_start3A_328 : memref<1x128x128xf32, #tpu.memory_space<vmem>> -> memref<128x128xf32, #tpu.memory_space<vmem>>
    %dma_start3A_330 = arith.constant 0 : i32
    %dma_start3A_331 = tpu.memref_slice %arg5[%dma_start3A_324, %dma_start3A_330] : memref<8x128xi32, #tpu.memory_space<vmem>> -> memref<1x128xi32, #tpu.memory_space<vmem>>
    %dma_start3A_332 = tpu.memref_squeeze %dma_start3A_331 : memref<1x128xi32, #tpu.memory_space<vmem>> -> memref<128xi32, #tpu.memory_space<vmem>>
    %dma_start3A_333 = arith.constant 0 : i32
    %dma_start3A_334 = arith.constant 0 : i32
    %dma_start3A_335 = tpu.memref_slice %arg2[%dma_start3A_333, %dma_start3A_334] : memref<8192x128xf32, #tpu.memory_space<hbm>> -> memref<8192x128xf32, #tpu.memory_space<hbm>>
    tpu.enqueue_indirect_dma source(%dma_start3A_335 : memref<8192x128xf32, #tpu.memory_space<hbm>>) target(%dma_start3A_329 : memref<128x128xf32, #tpu.memory_space<vmem>>) offsets(%dma_start3A_332 : memref<128xi32, #tpu.memory_space<vmem>>) semaphore(%arg8 : memref<!tpu.dma_semaphore, #tpu.memory_space<semaphore_mem>>)
    %dma_wait3A_336 = arith.constant 6 : i32
    %dma_wait3A_337 = arith.constant 0 : i32
    %dma_wait3A_338 = arith.constant 0 : i32
    %dma_wait3A_339 = arith.constant 0 : i32
    %dma_wait3A_340 = tpu.memref_slice %arg6[%dma_wait3A_337, %dma_wait3A_338, %dma_wait3A_339] : memref<3x128x128xf32, #tpu.memory_space<vmem>> -> memref<1x128x128xf32, #tpu.memory_space<vmem>>
    %dma_wait3A_341 = tpu.memref_squeeze %dma_wait3A_340 : memref<1x128x128xf32, #tpu.memory_space<vmem>> -> memref<128x128xf32, #tpu.memory_space<vmem>>
    %dma_wait3A_342 = arith.constant 0 : i32
    %dma_wait3A_343 = tpu.memref_slice %arg5[%dma_wait3A_336, %dma_wait3A_342] : memref<8x128xi32, #tpu.memory_space<vmem>> -> memref<1x128xi32, #tpu.memory_space<vmem>>
    %dma_wait3A_344 = tpu.memref_squeeze %dma_wait3A_343 : memref<1x128xi32, #tpu.memory_space<vmem>> -> memref<128xi32, #tpu.memory_space<vmem>>
    %dma_wait3A_345 = arith.constant 0 : i32
    %dma_wait3A_346 = arith.constant 0 : i32
    %dma_wait3A_347 = tpu.memref_slice %arg2[%dma_wait3A_345, %dma_wait3A_346] : memref<8192x128xf32, #tpu.memory_space<hbm>> -> memref<8192x128xf32, #tpu.memory_space<hbm>>
    tpu.wait_indirect_dma semaphore(%arg7 : memref<!tpu.dma_semaphore, #tpu.memory_space<semaphore_mem>>) src(%dma_wait3A_347 : memref<8192x128xf32, #tpu.memory_space<hbm>>) dst(%dma_wait3A_341 : memref<128x128xf32, #tpu.memory_space<vmem>>)
    %mul3A_348 = arith.constant 1024 : i32
    %mul3A_349 = arith.muli %add3A, %mul3A_348 : i32
    %add3A_350 = arith.constant 768 : i32
    %add3A_351 = arith.addi %mul3A_349, %add3A_350 : i32
    %dma_start3A_352 = arith.constant 0 : i32
    %dma_start3A_353 = arith.constant 0 : i32
    %dma_start3A_354 = arith.constant 0 : i32
    %dma_start3A_355 = tpu.memref_slice %arg6[%dma_start3A_352, %dma_start3A_353, %dma_start3A_354] : memref<3x128x128xf32, #tpu.memory_space<vmem>> -> memref<1x128x128xf32, #tpu.memory_space<vmem>>
    %dma_start3A_356 = tpu.memref_squeeze %dma_start3A_355 : memref<1x128x128xf32, #tpu.memory_space<vmem>> -> memref<128x128xf32, #tpu.memory_space<vmem>>
    %dma_start3A_357 = arith.constant 0 : i32
    %dma_start3A_358 = tpu.memref_slice %arg4[%add3A_351, %dma_start3A_357] : memref<32768x128xf32, #tpu.memory_space<hbm>> -> memref<128x128xf32, #tpu.memory_space<hbm>>
    %dma_start3A_359 = arith.constant 0 : i32
    %dma_start3A_360 = tpu.memref_slice %arg4[%add3A_351, %dma_start3A_359] : memref<32768x128xf32, #tpu.memory_space<hbm>> -> memref<128x128xf32, #tpu.memory_space<hbm>>
    %dma_start3A_361 = arith.constant 0 : i32
    %dma_start3A_362 = arith.constant 0 : i32
    %dma_start3A_363 = tpu.memref_slice %arg6[%dma_start3A_352, %dma_start3A_361, %dma_start3A_362] : memref<3x128x128xf32, #tpu.memory_space<vmem>> -> memref<1x128x128xf32, #tpu.memory_space<vmem>>
    %dma_start3A_364 = tpu.memref_squeeze %dma_start3A_363 : memref<1x128x128xf32, #tpu.memory_space<vmem>> -> memref<128x128xf32, #tpu.memory_space<vmem>>
    tpu.enqueue_dma source(%dma_start3A_364 : memref<128x128xf32, #tpu.memory_space<vmem>>) target(%dma_start3A_360 : memref<128x128xf32, #tpu.memory_space<hbm>>) target_semaphore(%arg10 : memref<!tpu.dma_semaphore, #tpu.memory_space<semaphore_mem>>)
    %dma_wait3A_365 = arith.constant 7 : i32
    %dma_wait3A_366 = arith.constant 1 : i32
    %dma_wait3A_367 = arith.constant 0 : i32
    %dma_wait3A_368 = arith.constant 0 : i32
    %dma_wait3A_369 = tpu.memref_slice %arg6[%dma_wait3A_366, %dma_wait3A_367, %dma_wait3A_368] : memref<3x128x128xf32, #tpu.memory_space<vmem>> -> memref<1x128x128xf32, #tpu.memory_space<vmem>>
    %dma_wait3A_370 = tpu.memref_squeeze %dma_wait3A_369 : memref<1x128x128xf32, #tpu.memory_space<vmem>> -> memref<128x128xf32, #tpu.memory_space<vmem>>
    %dma_wait3A_371 = arith.constant 0 : i32
    %dma_wait3A_372 = tpu.memref_slice %arg5[%dma_wait3A_365, %dma_wait3A_371] : memref<8x128xi32, #tpu.memory_space<vmem>> -> memref<1x128xi32, #tpu.memory_space<vmem>>
    %dma_wait3A_373 = tpu.memref_squeeze %dma_wait3A_372 : memref<1x128xi32, #tpu.memory_space<vmem>> -> memref<128xi32, #tpu.memory_space<vmem>>
    %dma_wait3A_374 = arith.constant 0 : i32
    %dma_wait3A_375 = arith.constant 0 : i32
    %dma_wait3A_376 = tpu.memref_slice %arg2[%dma_wait3A_374, %dma_wait3A_375] : memref<8192x128xf32, #tpu.memory_space<hbm>> -> memref<8192x128xf32, #tpu.memory_space<hbm>>
    tpu.wait_indirect_dma semaphore(%arg8 : memref<!tpu.dma_semaphore, #tpu.memory_space<semaphore_mem>>) src(%dma_wait3A_376 : memref<8192x128xf32, #tpu.memory_space<hbm>>) dst(%dma_wait3A_370 : memref<128x128xf32, #tpu.memory_space<vmem>>)
    %mul3A_377 = arith.constant 1024 : i32
    %mul3A_378 = arith.muli %add3A, %mul3A_377 : i32
    %add3A_379 = arith.constant 896 : i32
    %add3A_380 = arith.addi %mul3A_378, %add3A_379 : i32
    %dma_start3A_381 = arith.constant 1 : i32
    %dma_start3A_382 = arith.constant 0 : i32
    %dma_start3A_383 = arith.constant 0 : i32
    %dma_start3A_384 = tpu.memref_slice %arg6[%dma_start3A_381, %dma_start3A_382, %dma_start3A_383] : memref<3x128x128xf32, #tpu.memory_space<vmem>> -> memref<1x128x128xf32, #tpu.memory_space<vmem>>
    %dma_start3A_385 = tpu.memref_squeeze %dma_start3A_384 : memref<1x128x128xf32, #tpu.memory_space<vmem>> -> memref<128x128xf32, #tpu.memory_space<vmem>>
    %dma_start3A_386 = arith.constant 0 : i32
    %dma_start3A_387 = tpu.memref_slice %arg4[%add3A_380, %dma_start3A_386] : memref<32768x128xf32, #tpu.memory_space<hbm>> -> memref<128x128xf32, #tpu.memory_space<hbm>>
    %dma_start3A_388 = arith.constant 0 : i32
    %dma_start3A_389 = tpu.memref_slice %arg4[%add3A_380, %dma_start3A_388] : memref<32768x128xf32, #tpu.memory_space<hbm>> -> memref<128x128xf32, #tpu.memory_space<hbm>>
    %dma_start3A_390 = arith.constant 0 : i32
    %dma_start3A_391 = arith.constant 0 : i32
    %dma_start3A_392 = tpu.memref_slice %arg6[%dma_start3A_381, %dma_start3A_390, %dma_start3A_391] : memref<3x128x128xf32, #tpu.memory_space<vmem>> -> memref<1x128x128xf32, #tpu.memory_space<vmem>>
    %dma_start3A_393 = tpu.memref_squeeze %dma_start3A_392 : memref<1x128x128xf32, #tpu.memory_space<vmem>> -> memref<128x128xf32, #tpu.memory_space<vmem>>
    tpu.enqueue_dma source(%dma_start3A_393 : memref<128x128xf32, #tpu.memory_space<vmem>>) target(%dma_start3A_389 : memref<128x128xf32, #tpu.memory_space<hbm>>) target_semaphore(%arg11 : memref<!tpu.dma_semaphore, #tpu.memory_space<semaphore_mem>>)
    %dma_wait3A_394 = arith.constant 0 : i32
    %dma_wait3A_395 = arith.constant 0 : i32
    %dma_wait3A_396 = arith.constant 0 : i32
    %dma_wait3A_397 = tpu.memref_slice %arg6[%dma_wait3A_394, %dma_wait3A_395, %dma_wait3A_396] : memref<3x128x128xf32, #tpu.memory_space<vmem>> -> memref<1x128x128xf32, #tpu.memory_space<vmem>>
    %dma_wait3A_398 = tpu.memref_squeeze %dma_wait3A_397 : memref<1x128x128xf32, #tpu.memory_space<vmem>> -> memref<128x128xf32, #tpu.memory_space<vmem>>
    %dma_wait3A_399 = arith.constant 0 : i32
    %dma_wait3A_400 = tpu.memref_slice %arg4[%add3A_351, %dma_wait3A_399] : memref<32768x128xf32, #tpu.memory_space<hbm>> -> memref<128x128xf32, #tpu.memory_space<hbm>>
    %dma_wait3A_401 = arith.constant 0 : i32
    %dma_wait3A_402 = tpu.memref_slice %arg4[%add3A_351, %dma_wait3A_401] : memref<32768x128xf32, #tpu.memory_space<hbm>> -> memref<128x128xf32, #tpu.memory_space<hbm>>
    %dma_wait3A_403 = arith.constant 0 : i32
    %dma_wait3A_404 = arith.constant 0 : i32
    %dma_wait3A_405 = tpu.memref_slice %arg6[%dma_wait3A_394, %dma_wait3A_403, %dma_wait3A_404] : memref<3x128x128xf32, #tpu.memory_space<vmem>> -> memref<1x128x128xf32, #tpu.memory_space<vmem>>
    %dma_wait3A_406 = tpu.memref_squeeze %dma_wait3A_405 : memref<1x128x128xf32, #tpu.memory_space<vmem>> -> memref<128x128xf32, #tpu.memory_space<vmem>>
    tpu.wait_dma2 semaphore(%arg10 : memref<!tpu.dma_semaphore, #tpu.memory_space<semaphore_mem>>) src(%dma_wait3A_406 : memref<128x128xf32, #tpu.memory_space<vmem>>) dst(%dma_wait3A_402 : memref<128x128xf32, #tpu.memory_space<hbm>>)
    %dma_wait3A_407 = arith.constant 1 : i32
    %dma_wait3A_408 = arith.constant 0 : i32
    %dma_wait3A_409 = arith.constant 0 : i32
    %dma_wait3A_410 = tpu.memref_slice %arg6[%dma_wait3A_407, %dma_wait3A_408, %dma_wait3A_409] : memref<3x128x128xf32, #tpu.memory_space<vmem>> -> memref<1x128x128xf32, #tpu.memory_space<vmem>>
    %dma_wait3A_411 = tpu.memref_squeeze %dma_wait3A_410 : memref<1x128x128xf32, #tpu.memory_space<vmem>> -> memref<128x128xf32, #tpu.memory_space<vmem>>
    %dma_wait3A_412 = arith.constant 0 : i32
    %dma_wait3A_413 = tpu.memref_slice %arg4[%add3A_380, %dma_wait3A_412] : memref<32768x128xf32, #tpu.memory_space<hbm>> -> memref<128x128xf32, #tpu.memory_space<hbm>>
    %dma_wait3A_414 = arith.constant 0 : i32
    %dma_wait3A_415 = tpu.memref_slice %arg4[%add3A_380, %dma_wait3A_414] : memref<32768x128xf32, #tpu.memory_space<hbm>> -> memref<128x128xf32, #tpu.memory_space<hbm>>
    %dma_wait3A_416 = arith.constant 0 : i32
    %dma_wait3A_417 = arith.constant 0 : i32
    %dma_wait3A_418 = tpu.memref_slice %arg6[%dma_wait3A_407, %dma_wait3A_416, %dma_wait3A_417] : memref<3x128x128xf32, #tpu.memory_space<vmem>> -> memref<1x128x128xf32, #tpu.memory_space<vmem>>
    %dma_wait3A_419 = tpu.memref_squeeze %dma_wait3A_418 : memref<1x128x128xf32, #tpu.memory_space<vmem>> -> memref<128x128xf32, #tpu.memory_space<vmem>>
    tpu.wait_dma2 semaphore(%arg11 : memref<!tpu.dma_semaphore, #tpu.memory_space<semaphore_mem>>) src(%dma_wait3A_419 : memref<128x128xf32, #tpu.memory_space<vmem>>) dst(%dma_wait3A_415 : memref<128x128xf32, #tpu.memory_space<hbm>>)
    %dma_wait3A_420 = arith.constant 2 : i32
    %dma_wait3A_421 = arith.constant 0 : i32
    %dma_wait3A_422 = arith.constant 0 : i32
    %dma_wait3A_423 = tpu.memref_slice %arg6[%dma_wait3A_420, %dma_wait3A_421, %dma_wait3A_422] : memref<3x128x128xf32, #tpu.memory_space<vmem>> -> memref<1x128x128xf32, #tpu.memory_space<vmem>>
    %dma_wait3A_424 = tpu.memref_squeeze %dma_wait3A_423 : memref<1x128x128xf32, #tpu.memory_space<vmem>> -> memref<128x128xf32, #tpu.memory_space<vmem>>
    %dma_wait3A_425 = arith.constant 0 : i32
    %dma_wait3A_426 = tpu.memref_slice %arg4[%add3A_297, %dma_wait3A_425] : memref<32768x128xf32, #tpu.memory_space<hbm>> -> memref<128x128xf32, #tpu.memory_space<hbm>>
    %dma_wait3A_427 = arith.constant 0 : i32
    %dma_wait3A_428 = tpu.memref_slice %arg4[%add3A_297, %dma_wait3A_427] : memref<32768x128xf32, #tpu.memory_space<hbm>> -> memref<128x128xf32, #tpu.memory_space<hbm>>
    %dma_wait3A_429 = arith.constant 0 : i32
    %dma_wait3A_430 = arith.constant 0 : i32
    %dma_wait3A_431 = tpu.memref_slice %arg6[%dma_wait3A_420, %dma_wait3A_429, %dma_wait3A_430] : memref<3x128x128xf32, #tpu.memory_space<vmem>> -> memref<1x128x128xf32, #tpu.memory_space<vmem>>
    %dma_wait3A_432 = tpu.memref_squeeze %dma_wait3A_431 : memref<1x128x128xf32, #tpu.memory_space<vmem>> -> memref<128x128xf32, #tpu.memory_space<vmem>>
    tpu.wait_dma2 semaphore(%arg12 : memref<!tpu.dma_semaphore, #tpu.memory_space<semaphore_mem>>) src(%dma_wait3A_432 : memref<128x128xf32, #tpu.memory_space<vmem>>) dst(%dma_wait3A_428 : memref<128x128xf32, #tpu.memory_space<hbm>>)
    return
  }
}

module attributes {stable_mosaic.version = 14 : i64} {
  func.func @_encode_body(%arg0: i32, %arg1: memref<1x256x512xf32, #tpu.memory_space<vmem>>, %arg2: memref<32x256xf32, #tpu.memory_space<vmem>>, %arg3: memref<32x1xf32, #tpu.memory_space<vmem>>, %arg4: memref<8192x32xf32, #tpu.memory_space<vmem>>, %arg5: memref<8192x512xf32, #tpu.memory_space<vmem>>, %arg6: memref<1x1x512xi32, #tpu.memory_space<vmem>>, %arg7: memref<1x32x512xf32, #tpu.memory_space<vmem>>) attributes {dimension_semantics = [#tpu.dimension_semantics<arbitrary>], iteration_bounds = array<i64: 64>, scalar_prefetch = 0 : i64, scratch_operands = 0 : i64, tpu.core_type = #tpu.core_type<tc>, window_params = [{transform_indices = @transform_0, window_bounds = array<i64: 1, 256, 512>}, {pipeline_mode = #tpu.pipeline_mode<synchronous>, transform_indices = @transform_1, window_bounds = array<i64: 32, 256>}, {pipeline_mode = #tpu.pipeline_mode<synchronous>, transform_indices = @transform_2, window_bounds = array<i64: 32, 1>}, {pipeline_mode = #tpu.pipeline_mode<synchronous>, transform_indices = @transform_3, window_bounds = array<i64: 8192, 32>}, {pipeline_mode = #tpu.pipeline_mode<synchronous>, transform_indices = @transform_4, window_bounds = array<i64: 8192, 512>}, {transform_indices = @transform_5, window_bounds = array<i64: 1, 1, 512>}, {transform_indices = @transform_6, window_bounds = array<i64: 1, 32, 512>}]} {
    %get3A = arith.constant 0 : index
    %get3A_0 = arith.constant 0 : index
    %get3A_1 = arith.constant 0 : index
    %get3A_2 = vector.load %arg1[%get3A, %get3A_0, %get3A_1] : memref<1x256x512xf32, #tpu.memory_space<vmem>>, vector<1x256x512xf32>
    %get3A_3 = vector.shape_cast %get3A_2 : vector<1x256x512xf32> to vector<256x512xf32>
    %get3A_4 = arith.constant 0 : index
    %get3A_5 = arith.constant 0 : index
    %get3A_6 = vector.load %arg2[%get3A_4, %get3A_5] : memref<32x256xf32, #tpu.memory_space<vmem>>, vector<32x256xf32>
    %dot_general3A = arith.constant dense<0.000000e+00> : vector<32x512xf32>
    %dot_general3A_7 = tpu.matmul %get3A_6, %get3A_3, %dot_general3A {dimension_numbers = #tpu.dot_dimension_numbers<[1], [0], [0], [1], [0, 0, 1, 1], [], []>, transpose_lhs_hint = false} : vector<32x256xf32>, vector<256x512xf32>, vector<32x512xf32> -> vector<32x512xf32>
    %get3A_8 = arith.constant 0 : index
    %get3A_9 = arith.constant 0 : index
    %get3A_10 = vector.load %arg3[%get3A_8, %get3A_9] : memref<32x1xf32, #tpu.memory_space<vmem>>, vector<32x1xf32>
    %add3A = vector.broadcast %get3A_10 : vector<32x1xf32> to vector<32x512xf32>
    %add3A_11 = arith.addf %dot_general3A_7, %add3A : vector<32x512xf32>
    %swap3A = arith.constant 0 : index
    %swap3A_12 = arith.constant 0 : index
    %swap3A_13 = arith.constant 0 : index
    %swap3A_14 = vector.load %arg7[%swap3A, %swap3A_12, %swap3A_13] : memref<1x32x512xf32, #tpu.memory_space<vmem>>, vector<1x32x512xf32>
    %swap3A_15 = vector.shape_cast %swap3A_14 : vector<1x32x512xf32> to vector<32x512xf32>
    %swap3A_16 = vector.shape_cast %add3A_11 : vector<32x512xf32> to vector<1x32x512xf32>
    tpu.vector_store %arg7[%swap3A, %swap3A_12, %swap3A_13], %swap3A_16 {strides = array<i32>} : memref<1x32x512xf32, #tpu.memory_space<vmem>>, vector<1x32x512xf32>,
    %get3A_17 = arith.constant 0 : index
    %get3A_18 = arith.constant 0 : index
    %get3A_19 = vector.load %arg4[%get3A_17, %get3A_18] : memref<8192x32xf32, #tpu.memory_space<vmem>>, vector<8192x32xf32>
    %add3A_20 = arith.addf %add3A_11, %add3A_11 : vector<32x512xf32>
    %dot_general3A_21 = arith.constant dense<0.000000e+00> : vector<8192x512xf32>
    %dot_general3A_22 = tpu.matmul %get3A_19, %add3A_20, %dot_general3A_21 {dimension_numbers = #tpu.dot_dimension_numbers<[1], [0], [0], [1], [0, 0, 1, 1], [], []>, transpose_lhs_hint = false} : vector<8192x32xf32>, vector<32x512xf32>, vector<8192x512xf32> -> vector<8192x512xf32>
    %mul3A = arith.mulf %add3A_11, %add3A_11 : vector<32x512xf32>
    %reduce_sum3A = arith.constant dense<0.000000e+00> : vector<512xf32>
    %reduce_sum3A_23 = vector.multi_reduction <add>, %mul3A, %reduce_sum3A [0] : vector<32x512xf32> to vector<512xf32>
    %broadcast_in_dim3A = vector.shape_cast %reduce_sum3A_23 : vector<512xf32> to vector<1x512xf32>
    %sub3A = vector.broadcast %broadcast_in_dim3A : vector<1x512xf32> to vector<8192x512xf32>
    %sub3A_24 = arith.subf %sub3A, %dot_general3A_22 : vector<8192x512xf32>
    %get3A_25 = arith.constant 0 : index
    %get3A_26 = arith.constant 0 : index
    %get3A_27 = vector.load %arg5[%get3A_25, %get3A_26] : memref<8192x512xf32, #tpu.memory_space<vmem>>, vector<8192x512xf32>
    %add3A_28 = arith.addf %sub3A_24, %get3A_27 : vector<8192x512xf32>
    %argmin3A = tpu.reduce_index %add3A_28 {axis = 0 : i32, kind = #tpu.reduction_kind<arg_min>} : vector<8192x512xf32> -> vector<512xi32>
    %broadcast_in_dim3A_29 = vector.shape_cast %argmin3A : vector<512xi32> to vector<1x1x512xi32>
    %swap3A_30 = arith.constant 0 : index
    %swap3A_31 = arith.constant 0 : index
    %swap3A_32 = arith.constant 0 : index
    %swap3A_33 = vector.load %arg6[%swap3A_30, %swap3A_31, %swap3A_32] : memref<1x1x512xi32, #tpu.memory_space<vmem>>, vector<1x1x512xi32>
    tpu.vector_store %arg6[%swap3A_30, %swap3A_31, %swap3A_32], %broadcast_in_dim3A_29 {strides = array<i32>} : memref<1x1x512xi32, #tpu.memory_space<vmem>>, vector<1x1x512xi32>,
    return
  }
  func.func @transform_0(%arg0: i32) -> (i32, i32, i32) {
    %jit3A = arith.constant 4 : i32
    %div3A = arith.divsi %arg0, %jit3A : i32
    %sign3A = arith.constant 0 : i32
    %sign3A_0 = arith.cmpi sgt, %arg0, %sign3A : i32
    %sign3A_1 = arith.extui %sign3A_0 : i1 to i32
    %sign3A_2 = arith.constant 0 : i32
    %sign3A_3 = arith.cmpi slt, %arg0, %sign3A_2 : i32
    %sign3A_4 = arith.extui %sign3A_3 : i1 to i32
    %sign3A_5 = arith.subi %sign3A_1, %sign3A_4 : i32
    %sign3A_6 = arith.constant 0 : i32
    %sign3A_7 = arith.cmpi sgt, %jit3A, %sign3A_6 : i32
    %sign3A_8 = arith.extui %sign3A_7 : i1 to i32
    %sign3A_9 = arith.constant 0 : i32
    %sign3A_10 = arith.cmpi slt, %jit3A, %sign3A_9 : i32
    %sign3A_11 = arith.extui %sign3A_10 : i1 to i32
    %sign3A_12 = arith.subi %sign3A_8, %sign3A_11 : i32
    %ne3A = arith.cmpi ne, %sign3A_5, %sign3A_12 : i32
    %rem3A = arith.remsi %arg0, %jit3A : i32
    %ne3A_13 = arith.constant 0 : i32
    %ne3A_14 = arith.cmpi ne, %rem3A, %ne3A_13 : i32
    %and3A = arith.andi %ne3A, %ne3A_14 : i1
    %sub3A = arith.constant 1 : i32
    %sub3A_15 = arith.subi %div3A, %sub3A : i32
    %select_n3A = arith.select %and3A, %sub3A_15, %div3A : i32
    %jit3A_16 = arith.constant 4 : i32
    %eq3A = arith.constant 0 : i32
    %eq3A_17 = arith.cmpi eq, %jit3A_16, %eq3A : i32
    %jit3A_18 = arith.constant 1 : i32
    %select_n3A_19 = arith.select %eq3A_17, %jit3A_18, %jit3A_16 : i32
    %rem3A_20 = arith.remsi %arg0, %select_n3A_19 : i32
    %ne3A_21 = arith.constant 0 : i32
    %ne3A_22 = arith.cmpi ne, %rem3A_20, %ne3A_21 : i32
    %lt3A = arith.constant 0 : i32
    %lt3A_23 = arith.cmpi slt, %rem3A_20, %lt3A : i32
    %lt3A_24 = arith.constant 0 : i32
    %lt3A_25 = arith.cmpi slt, %select_n3A_19, %lt3A_24 : i32
    %ne3A_26 = arith.xori %lt3A_23, %lt3A_25 : i1
    %and3A_27 = arith.andi %ne3A_26, %ne3A_22 : i1
    %add3A = arith.addi %rem3A_20, %select_n3A_19 : i32
    %select_n3A_28 = arith.select %and3A_27, %add3A, %rem3A_20 : i32
    %c0_i32 = arith.constant 0 : i32
    %c0_i32_29 = arith.constant 0 : i32
    return %select_n3A, %c0_i32, %select_n3A_28 : i32, i32, i32
  }
  func.func @transform_1(%arg0: i32) -> (i32, i32) {
    %c0_i32 = arith.constant 0 : i32
    %c0_i32_0 = arith.constant 0 : i32
    %c0_i32_1 = arith.constant 0 : i32
    return %c0_i32, %c0_i32_0 : i32, i32
  }
  func.func @transform_2(%arg0: i32) -> (i32, i32) {
    %c0_i32 = arith.constant 0 : i32
    %c0_i32_0 = arith.constant 0 : i32
    %c0_i32_1 = arith.constant 0 : i32
    return %c0_i32, %c0_i32_0 : i32, i32
  }
  func.func @transform_3(%arg0: i32) -> (i32, i32) {
    %c0_i32 = arith.constant 0 : i32
    %c0_i32_0 = arith.constant 0 : i32
    %c0_i32_1 = arith.constant 0 : i32
    return %c0_i32, %c0_i32_0 : i32, i32
  }
  func.func @transform_4(%arg0: i32) -> (i32, i32) {
    %c0_i32 = arith.constant 0 : i32
    %c0_i32_0 = arith.constant 0 : i32
    %c0_i32_1 = arith.constant 0 : i32
    return %c0_i32, %c0_i32_0 : i32, i32
  }
  func.func @transform_5(%arg0: i32) -> (i32, i32, i32) {
    %c0_i32 = arith.constant 0 : i32
    %c0_i32_0 = arith.constant 0 : i32
    %c0_i32_1 = arith.constant 0 : i32
    return %arg0, %c0_i32, %c0_i32_0 : i32, i32, i32
  }
  func.func @transform_6(%arg0: i32) -> (i32, i32, i32) {
    %c0_i32 = arith.constant 0 : i32
    %c0_i32_0 = arith.constant 0 : i32
    %c0_i32_1 = arith.constant 0 : i32
    return %arg0, %c0_i32, %c0_i32_0 : i32, i32, i32
  }
}

module attributes {stable_mosaic.version = 14 : i64} {
  func.func @_e2_body(%arg0: memref<8192x32xf32, #tpu.memory_space<vmem>>, %arg1: memref<8192x512xf32, #tpu.memory_space<vmem>>) attributes {dimension_semantics = [], scalar_prefetch = 0 : i64, scratch_operands = 0 : i64, tpu.core_type = #tpu.core_type<tc>} {
    %get3A = arith.constant 0 : index
    %get3A_0 = arith.constant 0 : index
    %get3A_1 = vector.load %arg0[%get3A, %get3A_0] : memref<8192x32xf32, #tpu.memory_space<vmem>>, vector<8192x32xf32>
    %mul3A = arith.mulf %get3A_1, %get3A_1 : vector<8192x32xf32>
    %reduce_sum3A = arith.constant dense<0.000000e+00> : vector<8192xf32>
    %reduce_sum3A_2 = vector.multi_reduction <add>, %mul3A, %reduce_sum3A [1] : vector<8192x32xf32> to vector<8192xf32>
    %broadcast_in_dim3A = vector.shape_cast %reduce_sum3A_2 : vector<8192xf32> to vector<8192x1xf32>
    %broadcast_in_dim3A_3 = vector.shape_cast %broadcast_in_dim3A : vector<8192x1xf32> to vector<8192x1xf32>
    %broadcast_in_dim3A_4 = vector.broadcast %broadcast_in_dim3A_3 : vector<8192x1xf32> to vector<8192x512xf32>
    %swap3A = arith.constant 0 : index
    %swap3A_5 = arith.constant 0 : index
    %swap3A_6 = vector.load %arg1[%swap3A, %swap3A_5] : memref<8192x512xf32, #tpu.memory_space<vmem>>, vector<8192x512xf32>
    tpu.vector_store %arg1[%swap3A, %swap3A_5], %broadcast_in_dim3A_4 {strides = array<i32>} : memref<8192x512xf32, #tpu.memory_space<vmem>>, vector<8192x512xf32>,
    return
  }
}

module attributes {stable_mosaic.version = 14 : i64} {
  func.func @_decode_body(%arg0: i32, %arg1: memref<1x512x128xf32, #tpu.memory_space<vmem>>, %arg2: memref<256x32xf32, #tpu.memory_space<vmem>>, %arg3: memref<256x1xf32, #tpu.memory_space<vmem>>, %arg4: memref<1x1x512xf32, #tpu.memory_space<vmem>>, %arg5: memref<1x32x512xf32, #tpu.memory_space<vmem>>, %arg6: memref<1x256x512xf32, #tpu.memory_space<vmem>>, %arg7: memref<1x1xf32, #tpu.memory_space<smem>>) attributes {dimension_semantics = [#tpu.dimension_semantics<arbitrary>], iteration_bounds = array<i64: 64>, scalar_prefetch = 0 : i64, scratch_operands = 0 : i64, tpu.core_type = #tpu.core_type<tc>, window_params = [{transform_indices = @transform_0, window_bounds = array<i64: 1, 512, 128>}, {pipeline_mode = #tpu.pipeline_mode<synchronous>, transform_indices = @transform_1, window_bounds = array<i64: 256, 32>}, {pipeline_mode = #tpu.pipeline_mode<synchronous>, transform_indices = @transform_2, window_bounds = array<i64: 256, 1>}, {transform_indices = @transform_3, window_bounds = array<i64: 1, 1, 512>}, {transform_indices = @transform_4, window_bounds = array<i64: 1, 32, 512>}, {transform_indices = @transform_5, window_bounds = array<i64: 1, 256, 512>}, {transform_indices = @transform_6, window_bounds = array<i64: 1, 1>}]} {
    %get3A = arith.constant 0 : index
    %get3A_0 = arith.constant 0 : index
    %get3A_1 = arith.constant 0 : index
    %get3A_2 = vector.load %arg1[%get3A, %get3A_0, %get3A_1] : memref<1x512x128xf32, #tpu.memory_space<vmem>>, vector<1x512x128xf32>
    %get3A_3 = vector.shape_cast %get3A_2 : vector<1x512x128xf32> to vector<512x128xf32>
    %slice3A = vector.extract_strided_slice %get3A_3 {offsets = [0, 0], sizes = [512, 32], strides = [1, 1]} : vector<512x128xf32> to vector<512x32xf32>
    %get3A_4 = arith.constant 0 : index
    %get3A_5 = arith.constant 0 : index
    %get3A_6 = vector.load %arg2[%get3A_4, %get3A_5] : memref<256x32xf32, #tpu.memory_space<vmem>>, vector<256x32xf32>
    %dot_general3A = arith.constant dense<0.000000e+00> : vector<256x512xf32>
    %dot_general3A_7 = tpu.matmul %get3A_6, %slice3A, %dot_general3A {dimension_numbers = #tpu.dot_dimension_numbers<[1], [1], [0], [0], [0, 0, 1, 0], [], []>, transpose_lhs_hint = false} : vector<256x32xf32>, vector<512x32xf32>, vector<256x512xf32> -> vector<256x512xf32>
    %get3A_8 = arith.constant 0 : index
    %get3A_9 = arith.constant 0 : index
    %get3A_10 = vector.load %arg3[%get3A_8, %get3A_9] : memref<256x1xf32, #tpu.memory_space<vmem>>, vector<256x1xf32>
    %add3A = vector.broadcast %get3A_10 : vector<256x1xf32> to vector<256x512xf32>
    %add3A_11 = arith.addf %dot_general3A_7, %add3A : vector<256x512xf32>
    %get3A_12 = arith.constant 0 : index
    %get3A_13 = arith.constant 0 : index
    %get3A_14 = arith.constant 0 : index
    %get3A_15 = vector.load %arg4[%get3A_12, %get3A_13, %get3A_14] : memref<1x1x512xf32, #tpu.memory_space<vmem>>, vector<1x1x512xf32>
    %get3A_16 = vector.shape_cast %get3A_15 : vector<1x1x512xf32> to vector<1x512xf32>
    %mul3A = vector.broadcast %get3A_16 : vector<1x512xf32> to vector<256x512xf32>
    %mul3A_17 = arith.mulf %add3A_11, %mul3A : vector<256x512xf32>
    %swap3A = arith.constant 0 : index
    %swap3A_18 = arith.constant 0 : index
    %swap3A_19 = arith.constant 0 : index
    %swap3A_20 = vector.load %arg6[%swap3A, %swap3A_18, %swap3A_19] : memref<1x256x512xf32, #tpu.memory_space<vmem>>, vector<1x256x512xf32>
    %swap3A_21 = vector.shape_cast %swap3A_20 : vector<1x256x512xf32> to vector<256x512xf32>
    %swap3A_22 = vector.shape_cast %mul3A_17 : vector<256x512xf32> to vector<1x256x512xf32>
    tpu.vector_store %arg6[%swap3A, %swap3A_18, %swap3A_19], %swap3A_22 {strides = array<i32>} : memref<1x256x512xf32, #tpu.memory_space<vmem>>, vector<1x256x512xf32>,
    %get3A_23 = arith.constant 0 : index
    %get3A_24 = arith.constant 0 : index
    %get3A_25 = arith.constant 0 : index
    %get3A_26 = vector.load %arg5[%get3A_23, %get3A_24, %get3A_25] : memref<1x32x512xf32, #tpu.memory_space<vmem>>, vector<1x32x512xf32>
    %get3A_27 = vector.shape_cast %get3A_26 : vector<1x32x512xf32> to vector<32x512xf32>
    %dot_general3A_28 = arith.constant dense<0.000000e+00> : vector<32x32xf32>
    %dot_general3A_29 = tpu.matmul %slice3A, %get3A_27, %dot_general3A_28 {dimension_numbers = #tpu.dot_dimension_numbers<[0], [1], [1], [0], [0, 1, 1, 0], [], []>, precision = #tpu.contract_precision<fp32>, transpose_lhs_hint = false} : vector<512x32xf32>, vector<32x512xf32>, vector<32x32xf32> -> vector<32x32xf32>
    %iota3A = tpu.iota {dimensions = array<i32: 0>} : vector<32x32xi32>
    %iota3A_30 = tpu.iota {dimensions = array<i32: 1>} : vector<32x32xi32>
    %eq3A = arith.cmpi eq, %iota3A, %iota3A_30 : vector<32x32xi32>
    %mul3A_31 = arith.mulf %slice3A, %slice3A : vector<512x32xf32>
    %reduce_sum3A = vector.shape_cast %mul3A_31 : vector<512x32xf32> to vector<1x512x32xf32>
    %reduce_sum3A_32 = arith.constant dense<0.000000e+00> : vector<1xf32>
    %reduce_sum3A_33 = vector.multi_reduction <add>, %reduce_sum3A, %reduce_sum3A_32 [1, 2] : vector<1x512x32xf32> to vector<1xf32>
    %reduce_sum3A_34 = vector.shape_cast %reduce_sum3A_33 : vector<1xf32> to vector<1x1x1xf32>
    %reduce_sum3A_35 = vector.extract %reduce_sum3A_34[0, 0, 0] : f32 from vector<1x1x1xf32>
    %mul3A_36 = arith.mulf %get3A_27, %get3A_27 : vector<32x512xf32>
    %reduce_sum3A_37 = vector.shape_cast %mul3A_36 : vector<32x512xf32> to vector<1x32x512xf32>
    %reduce_sum3A_38 = arith.constant dense<0.000000e+00> : vector<1xf32>
    %reduce_sum3A_39 = vector.multi_reduction <add>, %reduce_sum3A_37, %reduce_sum3A_38 [1, 2] : vector<1x32x512xf32> to vector<1xf32>
    %reduce_sum3A_40 = vector.shape_cast %reduce_sum3A_39 : vector<1xf32> to vector<1x1x1xf32>
    %reduce_sum3A_41 = vector.extract %reduce_sum3A_40[0, 0, 0] : f32 from vector<1x1x1xf32>
    %add3A_42 = arith.addf %reduce_sum3A_35, %reduce_sum3A_41 : f32
    %jit3A = arith.constant 0.000000e+00 : f32
    %broadcast_in_dim3A = vector.broadcast %jit3A : f32 to vector<32x32xf32>
    %select_n3A = arith.select %eq3A, %dot_general3A_29, %broadcast_in_dim3A : vector<32x32xi1>, vector<32x32xf32>
    %reduce_sum3A_43 = vector.shape_cast %select_n3A : vector<32x32xf32> to vector<1x32x32xf32>
    %reduce_sum3A_44 = arith.constant dense<0.000000e+00> : vector<1xf32>
    %reduce_sum3A_45 = vector.multi_reduction <add>, %reduce_sum3A_43, %reduce_sum3A_44 [1, 2] : vector<1x32x32xf32> to vector<1xf32>
    %reduce_sum3A_46 = vector.shape_cast %reduce_sum3A_45 : vector<1xf32> to vector<1x1x1xf32>
    %reduce_sum3A_47 = vector.extract %reduce_sum3A_46[0, 0, 0] : f32 from vector<1x1x1xf32>
    %mul3A_48 = arith.constant 2.000000e+00 : f32
    %mul3A_49 = arith.mulf %mul3A_48, %reduce_sum3A_47 : f32
    %sub3A = arith.subf %add3A_42, %mul3A_49 : f32
    %eq3A_50 = arith.constant 0 : i32
    %eq3A_51 = arith.cmpi eq, %arg0, %eq3A_50 : i32
    %get3A_52 = arith.constant 0 : index
    %get3A_53 = arith.constant 0 : index
    %get3A_54 = memref.load %arg7[%get3A_52, %get3A_53] : memref<1x1xf32, #tpu.memory_space<smem>>
    %jit3A_55 = arith.constant 0.000000e+00 : f32
    %select_n3A_56 = arith.select %eq3A_51, %jit3A_55, %get3A_54 : f32
    %add3A_57 = arith.addf %select_n3A_56, %sub3A : f32
    %swap3A_58 = arith.constant 0 : index
    %swap3A_59 = arith.constant 0 : index
    %swap3A_60 = memref.load %arg7[%swap3A_58, %swap3A_59] : memref<1x1xf32, #tpu.memory_space<smem>>
    memref.store %add3A_57, %arg7[%swap3A_58, %swap3A_59] : memref<1x1xf32, #tpu.memory_space<smem>>
    return
  }
  func.func @transform_0(%arg0: i32) -> (i32, i32, i32) {
    %c0_i32 = arith.constant 0 : i32
    %c0_i32_0 = arith.constant 0 : i32
    %c0_i32_1 = arith.constant 0 : i32
    return %arg0, %c0_i32, %c0_i32_0 : i32, i32, i32
  }
  func.func @transform_1(%arg0: i32) -> (i32, i32) {
    %c0_i32 = arith.constant 0 : i32
    %c0_i32_0 = arith.constant 0 : i32
    %c0_i32_1 = arith.constant 0 : i32
    return %c0_i32, %c0_i32_0 : i32, i32
  }
  func.func @transform_2(%arg0: i32) -> (i32, i32) {
    %c0_i32 = arith.constant 0 : i32
    %c0_i32_0 = arith.constant 0 : i32
    %c0_i32_1 = arith.constant 0 : i32
    return %c0_i32, %c0_i32_0 : i32, i32
  }
  func.func @transform_3(%arg0: i32) -> (i32, i32, i32) {
    %jit3A = arith.constant 4 : i32
    %div3A = arith.divsi %arg0, %jit3A : i32
    %sign3A = arith.constant 0 : i32
    %sign3A_0 = arith.cmpi sgt, %arg0, %sign3A : i32
    %sign3A_1 = arith.extui %sign3A_0 : i1 to i32
    %sign3A_2 = arith.constant 0 : i32
    %sign3A_3 = arith.cmpi slt, %arg0, %sign3A_2 : i32
    %sign3A_4 = arith.extui %sign3A_3 : i1 to i32
    %sign3A_5 = arith.subi %sign3A_1, %sign3A_4 : i32
    %sign3A_6 = arith.constant 0 : i32
    %sign3A_7 = arith.cmpi sgt, %jit3A, %sign3A_6 : i32
    %sign3A_8 = arith.extui %sign3A_7 : i1 to i32
    %sign3A_9 = arith.constant 0 : i32
    %sign3A_10 = arith.cmpi slt, %jit3A, %sign3A_9 : i32
    %sign3A_11 = arith.extui %sign3A_10 : i1 to i32
    %sign3A_12 = arith.subi %sign3A_8, %sign3A_11 : i32
    %ne3A = arith.cmpi ne, %sign3A_5, %sign3A_12 : i32
    %rem3A = arith.remsi %arg0, %jit3A : i32
    %ne3A_13 = arith.constant 0 : i32
    %ne3A_14 = arith.cmpi ne, %rem3A, %ne3A_13 : i32
    %and3A = arith.andi %ne3A, %ne3A_14 : i1
    %sub3A = arith.constant 1 : i32
    %sub3A_15 = arith.subi %div3A, %sub3A : i32
    %select_n3A = arith.select %and3A, %sub3A_15, %div3A : i32
    %jit3A_16 = arith.constant 4 : i32
    %eq3A = arith.constant 0 : i32
    %eq3A_17 = arith.cmpi eq, %jit3A_16, %eq3A : i32
    %jit3A_18 = arith.constant 1 : i32
    %select_n3A_19 = arith.select %eq3A_17, %jit3A_18, %jit3A_16 : i32
    %rem3A_20 = arith.remsi %arg0, %select_n3A_19 : i32
    %ne3A_21 = arith.constant 0 : i32
    %ne3A_22 = arith.cmpi ne, %rem3A_20, %ne3A_21 : i32
    %lt3A = arith.constant 0 : i32
    %lt3A_23 = arith.cmpi slt, %rem3A_20, %lt3A : i32
    %lt3A_24 = arith.constant 0 : i32
    %lt3A_25 = arith.cmpi slt, %select_n3A_19, %lt3A_24 : i32
    %ne3A_26 = arith.xori %lt3A_23, %lt3A_25 : i1
    %and3A_27 = arith.andi %ne3A_26, %ne3A_22 : i1
    %add3A = arith.addi %rem3A_20, %select_n3A_19 : i32
    %select_n3A_28 = arith.select %and3A_27, %add3A, %rem3A_20 : i32
    %c0_i32 = arith.constant 0 : i32
    %c0_i32_29 = arith.constant 0 : i32
    return %select_n3A, %c0_i32, %select_n3A_28 : i32, i32, i32
  }
  func.func @transform_4(%arg0: i32) -> (i32, i32, i32) {
    %c0_i32 = arith.constant 0 : i32
    %c0_i32_0 = arith.constant 0 : i32
    %c0_i32_1 = arith.constant 0 : i32
    return %arg0, %c0_i32, %c0_i32_0 : i32, i32, i32
  }
  func.func @transform_5(%arg0: i32) -> (i32, i32, i32) {
    %jit3A = arith.constant 4 : i32
    %div3A = arith.divsi %arg0, %jit3A : i32
    %sign3A = arith.constant 0 : i32
    %sign3A_0 = arith.cmpi sgt, %arg0, %sign3A : i32
    %sign3A_1 = arith.extui %sign3A_0 : i1 to i32
    %sign3A_2 = arith.constant 0 : i32
    %sign3A_3 = arith.cmpi slt, %arg0, %sign3A_2 : i32
    %sign3A_4 = arith.extui %sign3A_3 : i1 to i32
    %sign3A_5 = arith.subi %sign3A_1, %sign3A_4 : i32
    %sign3A_6 = arith.constant 0 : i32
    %sign3A_7 = arith.cmpi sgt, %jit3A, %sign3A_6 : i32
    %sign3A_8 = arith.extui %sign3A_7 : i1 to i32
    %sign3A_9 = arith.constant 0 : i32
    %sign3A_10 = arith.cmpi slt, %jit3A, %sign3A_9 : i32
    %sign3A_11 = arith.extui %sign3A_10 : i1 to i32
    %sign3A_12 = arith.subi %sign3A_8, %sign3A_11 : i32
    %ne3A = arith.cmpi ne, %sign3A_5, %sign3A_12 : i32
    %rem3A = arith.remsi %arg0, %jit3A : i32
    %ne3A_13 = arith.constant 0 : i32
    %ne3A_14 = arith.cmpi ne, %rem3A, %ne3A_13 : i32
    %and3A = arith.andi %ne3A, %ne3A_14 : i1
    %sub3A = arith.constant 1 : i32
    %sub3A_15 = arith.subi %div3A, %sub3A : i32
    %select_n3A = arith.select %and3A, %sub3A_15, %div3A : i32
    %jit3A_16 = arith.constant 4 : i32
    %eq3A = arith.constant 0 : i32
    %eq3A_17 = arith.cmpi eq, %jit3A_16, %eq3A : i32
    %jit3A_18 = arith.constant 1 : i32
    %select_n3A_19 = arith.select %eq3A_17, %jit3A_18, %jit3A_16 : i32
    %rem3A_20 = arith.remsi %arg0, %select_n3A_19 : i32
    %ne3A_21 = arith.constant 0 : i32
    %ne3A_22 = arith.cmpi ne, %rem3A_20, %ne3A_21 : i32
    %lt3A = arith.constant 0 : i32
    %lt3A_23 = arith.cmpi slt, %rem3A_20, %lt3A : i32
    %lt3A_24 = arith.constant 0 : i32
    %lt3A_25 = arith.cmpi slt, %select_n3A_19, %lt3A_24 : i32
    %ne3A_26 = arith.xori %lt3A_23, %lt3A_25 : i1
    %and3A_27 = arith.andi %ne3A_26, %ne3A_22 : i1
    %add3A = arith.addi %rem3A_20, %select_n3A_19 : i32
    %select_n3A_28 = arith.select %and3A_27, %add3A, %rem3A_20 : i32
    %c0_i32 = arith.constant 0 : i32
    %c0_i32_29 = arith.constant 0 : i32
    return %select_n3A, %c0_i32, %select_n3A_28 : i32, i32, i32
  }
  func.func @transform_6(%arg0: i32) -> (i32, i32) {
    %c0_i32 = arith.constant 0 : i32
    %c0_i32_0 = arith.constant 0 : i32
    %c0_i32_1 = arith.constant 0 : i32
    return %c0_i32, %c0_i32_0 : i32, i32
  }
}

</mosaic_0001>

<sc_bundles>
// kernel: kernel.6.cloned.1.call-start
scs
__scs_entry_jumppad:
0x0: {  	(pc) =	sbr.rel $0x88, $3  }
0x1: {  	(tag) =	ssettag $0x0;
	lr =	simm.s32 $0x1  }
0x2: {  	[smem:$0x3F9A] =	sst lr;
	_ =	strace $0xD0000000  }
0x3: {  	_ = 	snop  }
0x4: {  	_ = 	snop  }
0x5: {  	_ = 	snop  }
0x6: {  	_ = 	snop  }
0x7: {  	_ = 	snop  }
__scs_overlays_trampoline_lowered:
0x8: {  	[smem:$0x3FA9] =	sst s0  }
0x9: {  	[smem:$0x3FAA] =	sst s1  }
0xa: {  	[smem:$0x3FAB] =	sst s2  }
0xb: {  	[smem:$0x3FAC] =	sst s3  }
0xc: {  	[smem:$0x3FAD] =	sst s4  }
0xd: {  	[smem:$0x3FAE] =	sst s5  }
0xe: {  	[smem:$0x3FAF] =	sst s6  }
0xf: {  	[smem:$0x3FB0] =	sst s7  }
0x10: {  	[smem:$0x3FB1] =	sst s8  }
0x11: {  	[smem:$0x3FB2] =	sst s9;
	s0 =	simm.s32 @!p0 $0x0  }
0x12: {  	s1 =	sld [smem:$0x3F98];
	s0 =	simm.s32 @p0 $0x1  }
0x13: {  	[smem:$0x3FB3] =	sst s0;
	s0 =	simm.s32 @!p1 $0x0  }
0x14: {  	s2 =	sld [smem:$0x3F97];
	s0 =	simm.s32 @p1 $0x1  }
0x15: {  	[smem:$0x3FB4] =	sst s0;
	s0 =	simm.s32 @!p2 $0x0  }
0x16: {  	s3 =	sld [smem:$0x3FDB];
	s0 =	simm.s32 @p2 $0x1  }
0x17: {  	s4 =	simm.s32 $0x1BF5;
	[smem:$0x3FB6] =	sst s0  }
0x18: {  	s0 =	sld [smem:$0x3F99];
	_ =	swait.ge [sflag:s4], $0x0  }
0x19: {  	s7 =	sld [smem:$0x3F9A]  }
0x1a: {  	s8 =	sadd.s32 $0xFFFFE003, lr  }
0x1b: {  	s9 =	sadd.s32 $0xFFFFFEF7, lr;
	s5 =	simm.s32 $0xFFFFFFFF;
	p2 =	slt.u32 s8, $0xFFFFF086  }
0x1c: {  	p1 =	slt.u32 s9, $0xF7A;
	s5 =	simm.s32 @!p2 $0x0  }
0x1d: {  	s5 =	simm.s32 @p1 $0x1;
	p0 =	seq.s32 s7, s2  }
0x1e: {  	s7 =	smul.u32 @!p0 $0xF7A, s2;
	p2 =	seq.s32 @!p0 s5, $0x0  }
0x1f: {  	s9 =	smul.u32 $0xF7A, s1;
	s8 =	simm.s32 @!p0 $0x1BF5;
	p2 =	por !p2, p0  }
0x20: {  	[sflag:s8] =	ssyncset.s32 @!p0 $0xFFFFF086;
	s6 =	sadd.s32 @!p0 s3, s7;
	s7 =	simm.s32 @!p0 $0x108  }
0x21: {  	s3 =	sadd.s32 s3, s9;
	s6 =	sadd.s32 @!p0 $0x88, s6;
	s7 =	simm.s32 @p2 $0x1082  }
0x22: {  	[simem:s7], [sflag:s8] =	dma.local @!p0 [hbm:s6], $0xF7A  }
0x23: {  	s9 =	sor.u32 $0xD0000000, s2;
	s6 =	simm.s32 $0x108;
	_ =	swait.ge @!p0 [sflag:s8], $0x0  }
0x24: {  	s3 =	sadd.s32 $0x88, s3;
	s6 =	simm.s32 @!p1 $0x1082;
	[sflag:s4] =	ssyncset.s32 $0xFFFFF086  }
0x25: {  	[simem:s6], [sflag:s4] =	dma.local [hbm:s3], $0xF7A  }
0x26: {  	[smem:$0x3F9A] =	sst s1;
	(tag) =	ssettag s2;
	_ =	strace s9  }
0x27: {  	s1 =	sld [smem:$0x3FAA]  }
0x28: {  	s2 =	sld [smem:$0x3FAB]  }
0x29: {  	s4 =	sld [smem:$0x3FAD]  }
0x2a: {  	p0 =	seq.s32 s5, $0x0;
	s5 =	sld [smem:$0x3FAE]  }
0x2b: {  	s6 =	sld [smem:$0x3FAF]  }
0x2c: {  	s7 =	sld [smem:$0x3FB0]  }
0x2d: {  	s3 =	simm.s32 $0x108;
	s8 =	sld [smem:$0x3FB1]  }
0x2e: {  	s3 =	simm.s32 @!p0 $0x1082;
	s9 =	sld [smem:$0x3FB2]  }
0x2f: {  	lr =	sadd.s32 s0, s3;
	s0 =	sld [smem:$0x3FA9]  }
0x30: {  	s3 =	sld [smem:$0x3FAC]  }
0x31: {  	[smem:$0x3FB5] =	sst s10  }
0x32: {  	s10 =	sld [smem:$0x3FB3];
	_ =	sdelay $0x3  }
0x33: {  	p0 =	seq.s32 s10, $0x1;
	s10 =	sld [smem:$0x3FB5];
	_ =	sdelay $0x3  }
0x34: {  	[smem:$0x3FB5] =	sst s10  }
0x35: {  	s10 =	sld [smem:$0x3FB4];
	_ =	sdelay $0x3  }
0x36: {  	p1 =	seq.s32 s10, $0x1;
	s10 =	sld [smem:$0x3FB5];
	_ =	sdelay $0x3  }
0x37: {  	[smem:$0x3FB5] =	sst s10  }
0x38: {  	s10 =	sld [smem:$0x3FB6]  }
0x39: {  	_ = 	snop;
	(pc) =	sbr.ind lr, $3  }
0x3a: {  	_ = 	snop  }
0x3b: {  	_ = 	snop  }
0x3c: {  	p2 =	seq.s32 s10, $0x1;
	s10 =	sld [smem:$0x3FB5]  }
0x3d: {  	_ =	shalt  }
0x3e: {  	_ =	shalt  }
0x3f: {  	_ =	shalt  }
0x40: {  	_ =	shalt  }
0x41: {  	_ =	shalt  }
0x42: {  	_ =	shalt  }
0x43: {  	_ =	shalt  }
0x44: {  	_ =	shalt  }
0x45: {  	_ =	shalt  }
0x46: {  	_ =	shalt  }
0x47: {  	_ =	shalt  }
0x48: {  	_ =	shalt  }
0x49: {  	_ =	shalt  }
0x4a: {  	_ =	shalt  }
0x4b: {  	_ =	shalt  }
0x4c: {  	_ =	shalt  }
0x4d: {  	_ =	shalt  }
0x4e: {  	_ =	shalt  }
0x4f: {  	_ =	shalt  }
0x50: {  	_ =	shalt  }
0x51: {  	_ =	shalt  }
0x52: {  	_ =	shalt  }
0x53: {  	_ =	shalt  }
0x54: {  	_ =	shalt  }
0x55: {  	_ =	shalt  }
0x56: {  	_ =	shalt  }
0x57: {  	_ =	shalt  }
0x58: {  	_ =	shalt  }
0x59: {  	_ =	shalt  }
0x5a: {  	_ =	shalt  }
0x5b: {  	_ =	shalt  }
0x5c: {  	_ =	shalt  }
0x5d: {  	_ =	shalt  }
0x5e: {  	_ =	shalt  }
0x5f: {  	_ =	shalt  }
0x60: {  	_ =	shalt  }
0x61: {  	_ =	shalt  }
0x62: {  	_ =	shalt  }
0x63: {  	_ =	shalt  }
0x64: {  	_ =	shalt  }
0x65: {  	_ =	shalt  }
0x66: {  	_ =	shalt  }
0x67: {  	_ =	shalt  }
0x68: {  	_ =	shalt  }
0x69: {  	_ =	shalt  }
0x6a: {  	_ =	shalt  }
0x6b: {  	_ =	shalt  }
0x6c: {  	_ =	shalt  }
0x6d: {  	_ =	shalt  }
0x6e: {  	_ =	shalt  }
0x6f: {  	_ =	shalt  }
0x70: {  	_ =	shalt  }
0x71: {  	_ =	shalt  }
0x72: {  	_ =	shalt  }
0x73: {  	_ =	shalt  }
0x74: {  	_ =	shalt  }
0x75: {  	_ =	shalt  }
0x76: {  	_ =	shalt  }
0x77: {  	_ =	shalt  }
0x78: {  	_ =	shalt  }
0x79: {  	_ =	shalt  }
0x7a: {  	_ =	shalt  }
0x7b: {  	_ =	shalt  }
0x7c: {  	_ =	shalt  }
0x7d: {  	_ =	shalt  }
0x7e: {  	_ =	shalt  }
0x7f: {  	_ =	shalt  }
0x80: {  	_ =	shalt  }
0x81: {  	_ =	shalt  }
0x82: {  	_ =	shalt  }
0x83: {  	_ =	shalt  }
0x84: {  	_ =	shalt  }
0x85: {  	_ =	shalt  }
0x86: {  	_ =	shalt  }
0x87: {  	_ =	shalt  }
.Lfunc_end0:
.L_simem_size_0:
called_computation_lowered:
.L_overlay_start_0:
0x88: {  	s2 =	sld [smem:$0x3FD9]  }
0x89: {  	s3 =	sld [smem:$0x3FFE];
	_ =	sdelay $0x1  }
0x8a: {  	s1 =	srdreg.scid  }
0x8b: {  	s0 =	sand.u32 $0x1, s1  }
0x8c: {  	s14 =	sshll.u32 s0, $0xA;
	s2 =	sadd.s32 s3, s2  }
0x8d: {  	s2 =	sadd.s32 s2, s14  }
0x8e: {  	[smem:$0x3FC1] =	sst s2  }
0x8f: {  	_ = 	snop  }
0x90: {  	s2 =	sld [smem:$0x3FD0];
	_ =	sdelay $0x2  }
0x91: {  	s15 =	simm.s32 $0xA;
	s4 =	simm.s32 $0x10  }
0x92: {  	[smem:s4], [sflag:s15] =	dma.local [hbm:s2], $0x1  }
0x93: {  	_ =	swait.eq [sflag:s15], $0x1  }
0x94: {  	[sflag:s15] =	ssyncset.done $0x0  }
0x95: {  	[sflag:s15] =	ssyncadd.s32 $0xFFFFFFFF  }
0x96: {  	s16 =	sld [smem:$0x10];
	(tm) =	ssettm $0x1  }
0x97: {  	s17 =	sld [smem:$0x3FFB];
	_ =	sdelay $0x3  }
0x98: {  	_ =	strace s17  }
0x99: {  	s3 =	sld [smem:$0x3FFC];
	_ =	sdelay $0x3  }
0x9a: {  	_ =	strace s3  }
0x9b: {  	s3 =	sld [smem:$0x3FFD];
	_ =	sdelay $0x3  }
0x9c: {  	_ =	strace s3  }
0x9d: {  	_ =	strace $0x8FFFFFFF  }
0x9e: {  	s18 =	sld [smem:$0x3FDB];
	_ =	sdelay $0x1  }
0x9f: {  	s19 =	simm.s32 $_scs_section_size  }
0xa0: {  	s5 =	simm.s32 $_size__tile_overlayer_lowered;
	s6 =	simm.s32 $_tile_overlayer_lowered  }
0xa1: {  	s22 =	simm.s32 $0x1BFF;
	s21 =	sshll.u32 s6, $0x1;
	s3 =	sadd.s32 s19, s18  }
0xa2: {  	s7 =	simm.s32 $0x0;
	s20 =	sshll.u32 s5, $0x1;
	s5 =	sadd.s32 s21, s3  }
0xa3: {  	[timem:s7], [sflag:s22] =	dma.local [hbm:s5], s20  }
0xa4: {  	_ =	swait.ge [sflag:s22], s20  }
0xa5: {  	s4 =	ssub.s32 $0x0, s20;
	[sflag:s22] =	ssyncset.done $0x0  }
0xa6: {  	[sflag:s22] =	ssyncadd.s32 s4;
	_ =	sdelay $0x1  }
0xa7: {  	s23 =	simm.s32 $0x1B8B  }
0xa8: {  	_ =	swait.ge [sflag:s23], $0x1  }
0xa9: {  	[sflag:s23] =	ssyncset.done $0x0  }
0xaa: {  	s25 =	simm.s32 $0x1B8E;
	s24 =	sld [smem:$0x3FFE];
	[sflag:s23] =	ssyncadd.s32 $0xFFFFFFFF  }
0xab: {  	s26 =	simm.s32 $execute0_lowered;
	[smem:$0x3FD2] =	sst s25  }
0xac: {  	s5 =	sshll.u32 s26, $0x1;
	_ =	strace $0x80000046;
	[dreg:$0x1] =	wrdreg $0xFFFFFFFF  }
0xad: {  	s28 =	simm.s32 $_size_execute0_lowered;
	s3 =	sadd.s32 s3, s5;
	[dreg:$0x0] =	wrdreg $0x0  }
0xae: {  	s5 =	sshll.u32 s28, $0x1;
	[dreg:$0x2] =	wrdreg s3  }
0xaf: {  	[dreg:$0x3] =	wrdreg s5  }
0xb0: {  	[dreg:$0x4] =	wrdreg $0xC0  }
0xb1: {  	_ =	task [dreg:s7], $0x5FFFF  }
0xb2: {  	[dreg:$0x1] =	wrdreg $0xFFFFFFFF  }
0xb3: {  	[dreg:$0x0] =	wrdreg $0x60  }
0xb4: {  	[dreg:$0x2] =	wrdreg s24  }
0xb5: {  	[dreg:$0x3] =	wrdreg s16  }
0xb6: {  	[dreg:$0x4] =	wrdreg $0x9  }
0xb7: {  	_ =	task.clear_ibuf [dreg:s7], $0x5FFFF;
	_ =	strace $0x90000046  }
0xb8: {  	s29 =	simm.s32 $0x9;
	_ =	strace $0x80000048  }
0xb9: {  	_ =	swait.ge [sflag:s29], $0x1  }
0xba: {  	[sflag:s29] =	ssyncadd.s32 $0xFFFFFFFF  }
0xbb: {  	_ =	strace $0x90000048  }
0xbc: {  	_ =	sfence  }
0xbd: {  	s30 =	sld [smem:$0x0];
	_ =	sdelay $0x2  }
0xbe: {  	s31 =	sshll.u32 s1, $0xD;
	s1 =	sshrl.u32 s1, $0x2  }
0xbf: {  	s3 =	sand.u32 $0x4000, s31;
	s1 =	sadd.s32 s1, s30  }
0xc0: {  	s0 =	sor.u32 s3, s0;
	s1 =	sshll.u32 s1, $0x11  }
0xc1: {  	s0 =	sor.u32 s1, s0  }
0xc2: {  	s0 =	sadd.s32 $0x8F2B, s0  }
0xc3: {  	[sflag:s0] =	ssyncadd.remote.s32 $0x1  }
0xc4: {  	_ =	sfence.sel $0xFFFF  }
0xc5: {  	[dreg:$0x0] =	wrdreg $0xFFFFFFFF;
	(pc) =	sbr.abs _section_cstart, $3  }
0xc6: {  	[dreg:$0x1] =	wrdreg $0xFFFFFFFF  }
0xc7: {  	_ =	task.clear_ibuf [dreg:s7], $0x2FFFF;
	_ =	strace $0x9FFFFFFF  }
0xc8: {  	(tm) =	ssettm $0x7FFFFFFF  }
0xc9: {  	_ =	shalt  }
tec
execute0_lowered:
.L_overlay_start_1:
0x0: {  	(tag) =	ssettag $0x1  }
0x1: {  	s1 =	srdreg.scid;
	s0 =	stileid.u32  }
0x2: {  	s31 =	sand.u32 $0x1, s1;
	s26 =	sshll.u32 s0, $0x1  }
0x3: {  	s5 =	rddreg [dreg:$0x0];
	s11 =	sor.u32 s31, s26  }
0x4: {  	s10 =	rddreg [dreg:$0x1];
	s2 =	simm.s32 $0x0;
	s3 =	sshll.u32 s11, $0x7  }
0x5: {  	[smem:$0x7FF] =	sst s2;
	s3 =	sadd.s32 s3, s5  }
0x6: {  	s4 =	simm.s32 $0x7;
	_ =	strace $0x80000047;
	s3 =	sadd.s32 $0x21400, s3  }
0x7: {  	[tilespmem:s2], [sflag:$0x7] =	stream.linear.gather [hbm4b:s3+s2], $0x400, $0x38;
	[tilespmem:$0xC400] =	vst v63  }
0x8: {  	_ =	swait.ge [sflag:s4], $0x400  }
0x9: {  	s6 =	simm.s32 $0x80;
	[sflag:s4] =	ssyncset.done $0x0  }
0xa: {  	s7 =	simm.s32 $0x400;
	s5 =	sadd.s32 $0x1400, s5;
	[sflag:s4] =	ssyncadd.s32 $0xFFFFFC00  }
0xb: {  	[tilespmem:s7], [sflag:$0x1] =	stream.indirect.gather [hbm4b:s5+s6], $0x80, s2, s6, $0xb8;
	[tilespmem:$0xC400] =	vst v63  }
0xc: {  	s8 =	simm.s32 $0x4400;
	s9 =	simm.s32 $0x1  }
0xd: {  	[tilespmem:s8], [sflag:$0x2] =	stream.indirect.gather [hbm4b:s5+s6], $0x80, s6, s6, $0xb8;
	[tilespmem:$0xC400] =	vst v63  }
0xe: {  	_ =	swait.ge [sflag:s9], $0x4000  }
0xf: {  	s11 =	sshll.u32 s11, $0xE;
	[sflag:s9] =	ssyncset.done $0x0  }
0x10: {  	s10 =	sadd.s32 s10, s11;
	[sflag:s9] =	ssyncadd.s32 $0xFFFFC000  }
0x11: {  	[hbm4b:s10+s2] =	stream.linear.scatter [tilespmem:s7], [sflag:$0x4], $0x4000, $0x38;
	[tilespmem:$0xC400] =	vst v63  }
0x12: {  	s12 =	simm.s32 $0x8400;
	s13 =	simm.s32 $0x2;
	s11 =	simm.s32 $0x100  }
0x13: {  	[tilespmem:s12], [sflag:$0x3] =	stream.indirect.gather [hbm4b:s5+s6], $0x80, s11, s6, $0xb8;
	[tilespmem:$0xC400] =	vst v63  }
0x14: {  	_ =	swait.ge [sflag:s13], $0x4000  }
0x15: {  	[sflag:s13] =	ssyncset.done $0x0  }
0x16: {  	s15 =	simm.s32 $0x4;
	s14 =	sadd.s32 $0x800, s10;
	[sflag:s13] =	ssyncadd.s32 $0xFFFFC000  }
0x17: {  	[hbm4b:s14+s2] =	stream.linear.scatter [tilespmem:s8], [sflag:$0x5], $0x4000, $0x38;
	[tilespmem:$0xC400] =	vst v63  }
0x18: {  	_ =	swait.ge [sflag:s15], $0x4000  }
0x19: {  	[sflag:s15] =	ssyncset.done $0x0  }
0x1a: {  	s16 =	simm.s32 $0x180;
	s17 =	simm.s32 $0x3;
	[sflag:s15] =	ssyncadd.s32 $0xFFFFC000  }
0x1b: {  	[tilespmem:s7], [sflag:$0x1] =	stream.indirect.gather [hbm4b:s5+s6], $0x80, s16, s6, $0xb8;
	[tilespmem:$0xC400] =	vst v63  }
0x1c: {  	_ =	swait.ge [sflag:s17], $0x4000  }
0x1d: {  	[sflag:s17] =	ssyncset.done $0x0  }
0x1e: {  	s19 =	simm.s32 $0x5;
	s18 =	sadd.s32 $0x1000, s10;
	[sflag:s17] =	ssyncadd.s32 $0xFFFFC000  }
0x1f: {  	[hbm4b:s18+s2] =	stream.linear.scatter [tilespmem:s12], [sflag:$0x6], $0x4000, $0x38;
	[tilespmem:$0xC400] =	vst v63  }
0x20: {  	_ =	swait.ge [sflag:s19], $0x4000  }
0x21: {  	[sflag:s19] =	ssyncset.done $0x0  }
0x22: {  	s20 =	simm.s32 $0x200;
	[sflag:s19] =	ssyncadd.s32 $0xFFFFC000  }
0x23: {  	[tilespmem:s8], [sflag:$0x2] =	stream.indirect.gather [hbm4b:s5+s6], $0x80, s20, s6, $0xb8;
	[tilespmem:$0xC400] =	vst v63  }
0x24: {  	_ =	swait.ge [sflag:s9], $0x4000  }
0x25: {  	[sflag:s9] =	ssyncset.done $0x0  }
0x26: {  	s21 =	simm.s32 $0x6;
	s22 =	sadd.s32 $0x1800, s10;
	[sflag:s9] =	ssyncadd.s32 $0xFFFFC000  }
0x27: {  	[hbm4b:s22+s2] =	stream.linear.scatter [tilespmem:s7], [sflag:$0x4], $0x4000, $0x38;
	[tilespmem:$0xC400] =	vst v63  }
0x28: {  	_ =	swait.ge [sflag:s21], $0x4000  }
0x29: {  	[sflag:s21] =	ssyncset.done $0x0  }
0x2a: {  	s23 =	simm.s32 $0x280;
	[sflag:s21] =	ssyncadd.s32 $0xFFFFC000  }
0x2b: {  	[tilespmem:s12], [sflag:$0x3] =	stream.indirect.gather [hbm4b:s5+s6], $0x80, s23, s6, $0xb8;
	[tilespmem:$0xC400] =	vst v63  }
0x2c: {  	_ =	swait.ge [sflag:s13], $0x4000  }
0x2d: {  	[sflag:s13] =	ssyncset.done $0x0  }
0x2e: {  	s24 =	sadd.s32 $0x2000, s10;
	[sflag:s13] =	ssyncadd.s32 $0xFFFFC000  }
0x2f: {  	[hbm4b:s24+s2] =	stream.linear.scatter [tilespmem:s8], [sflag:$0x5], $0x4000, $0x38;
	[tilespmem:$0xC400] =	vst v63  }
0x30: {  	_ =	swait.ge [sflag:s15], $0x4000  }
0x31: {  	[sflag:s15] =	ssyncset.done $0x0  }
0x32: {  	s25 =	simm.s32 $0x300;
	[sflag:s15] =	ssyncadd.s32 $0xFFFFC000  }
0x33: {  	[tilespmem:s7], [sflag:$0x1] =	stream.indirect.gather [hbm4b:s5+s6], $0x80, s25, s6, $0xb8;
	[tilespmem:$0xC400] =	vst v63  }
0x34: {  	_ =	swait.ge [sflag:s17], $0x4000  }
0x35: {  	[sflag:s17] =	ssyncset.done $0x0  }
0x36: {  	s26 =	sadd.s32 $0x2800, s10;
	[sflag:s17] =	ssyncadd.s32 $0xFFFFC000  }
0x37: {  	[hbm4b:s26+s2] =	stream.linear.scatter [tilespmem:s12], [sflag:$0x6], $0x4000, $0x38;
	[tilespmem:$0xC400] =	vst v63  }
0x38: {  	_ =	swait.ge [sflag:s19], $0x4000  }
0x39: {  	[sflag:s19] =	ssyncset.done $0x0  }
0x3a: {  	s28 =	simm.s32 $0x380;
	[sflag:s19] =	ssyncadd.s32 $0xFFFFC000  }
0x3b: {  	[tilespmem:s8], [sflag:$0x2] =	stream.indirect.gather [hbm4b:s5+s6], $0x80, s28, s6, $0xb8;
	[tilespmem:$0xC400] =	vst v63  }
0x3c: {  	_ =	swait.ge [sflag:s9], $0x4000  }
0x3d: {  	[sflag:s9] =	ssyncset.done $0x0  }
0x3e: {  	s29 =	sadd.s32 $0x3000, s10;
	[sflag:s9] =	ssyncadd.s32 $0xFFFFC000  }
0x3f: {  	[hbm4b:s29+s2] =	stream.linear.scatter [tilespmem:s7], [sflag:$0x4], $0x4000, $0x38;
	[tilespmem:$0xC400] =	vst v63  }
0x40: {  	_ =	swait.ge [sflag:s13], $0x4000  }
0x41: {  	s31 =	ssub.s32 $0x2, s31;
	[sflag:s13] =	ssyncset.done $0x0  }
0x42: {  	s1 =	sshrl.u32 s31, $0x1;
	s30 =	sadd.s32 $0x3800, s10;
	[sflag:s13] =	ssyncadd.s32 $0xFFFFC000  }
0x43: {  	[hbm4b:s30+s2] =	stream.linear.scatter [tilespmem:s8], [sflag:$0x5], $0x4000, $0x38;
	[tilespmem:$0xC400] =	vst v63  }
0x44: {  	s1 =	ssub.s32 s31, s1;
	_ =	swait.ge [sflag:s15], $0x4000  }
0x45: {  	s1 =	smax.u32 s1, $0x1;
	[sflag:s15] =	ssyncset.done $0x0  }
0x46: {  	p0 =	sne.s32 s1, $0x1;
	[sflag:s15] =	ssyncadd.s32 $0xFFFFC000  }
.Ltmp0:
0x47: {  	_ =	swait.ge [sflag:s19], $0x4000;
	(pc) =	sbr.rel @!p0 .LBB2_2-.Ltmp0, $4  }
0x48: {  	[sflag:s19] =	ssyncset.done $0x0  }
0x49: {  	[sflag:s19] =	ssyncadd.s32 $0xFFFFC000  }
0x4a: {  	_ =	swait.ge [sflag:s21], $0x4000  }
0x4b: {  	s31 =	sadd.s32 $0xFFFFFFFF, s1;
	[sflag:s21] =	ssyncset.done $0x0  }
.LBB2_1:
0x4c: {  	p0 =	sne.s32 s31, $0x1;
	s31 =	sadd.s32 $0xFFFFFFFF, s31;
	[sflag:s21] =	ssyncadd.s32 $0xFFFFC000  }
0x4d: {  	[tilespmem:s2], [sflag:$0x7] =	stream.linear.gather [hbm4b:s3+s2], $0x400, $0x38;
	[tilespmem:$0xC400] =	vst v63  }
0x4e: {  	_ =	swait.ge [sflag:s4], $0x400  }
0x4f: {  	[sflag:s4] =	ssyncset.done $0x0  }
0x50: {  	[sflag:s4] =	ssyncadd.s32 $0xFFFFFC00  }
0x51: {  	[tilespmem:s7], [sflag:$0x1] =	stream.indirect.gather [hbm4b:s5+s6], $0x80, s2, s6, $0xb8;
	[tilespmem:$0xC400] =	vst v63  }
0x52: {  	_ = 	snop  }
0x53: {  	[tilespmem:s8], [sflag:$0x2] =	stream.indirect.gather [hbm4b:s5+s6], $0x80, s6, s6, $0xb8;
	[tilespmem:$0xC400] =	vst v63  }
0x54: {  	_ =	swait.ge [sflag:s9], $0x4000  }
0x55: {  	[sflag:s9] =	ssyncset.done $0x0  }
0x56: {  	[sflag:s9] =	ssyncadd.s32 $0xFFFFC000  }
0x57: {  	[hbm4b:s10+s2] =	stream.linear.scatter [tilespmem:s7], [sflag:$0x4], $0x4000, $0x38;
	[tilespmem:$0xC400] =	vst v63  }
0x58: {  	_ = 	snop  }
0x59: {  	[tilespmem:s12], [sflag:$0x3] =	stream.indirect.gather [hbm4b:s5+s6], $0x80, s11, s6, $0xb8;
	[tilespmem:$0xC400] =	vst v63  }
0x5a: {  	_ =	swait.ge [sflag:s13], $0x4000  }
0x5b: {  	[sflag:s13] =	ssyncset.done $0x0  }
0x5c: {  	[sflag:s13] =	ssyncadd.s32 $0xFFFFC000  }
0x5d: {  	[hbm4b:s14+s2] =	stream.linear.scatter [tilespmem:s8], [sflag:$0x5], $0x4000, $0x38;
	[tilespmem:$0xC400] =	vst v63  }
0x5e: {  	_ =	swait.ge [sflag:s15], $0x4000  }
0x5f: {  	[sflag:s15] =	ssyncset.done $0x0  }
0x60: {  	[sflag:s15] =	ssyncadd.s32 $0xFFFFC000  }
0x61: {  	[tilespmem:s7], [sflag:$0x1] =	stream.indirect.gather [hbm4b:s5+s6], $0x80, s16, s6, $0xb8;
	[tilespmem:$0xC400] =	vst v63  }
0x62: {  	_ =	swait.ge [sflag:s17], $0x4000  }
0x63: {  	[sflag:s17] =	ssyncset.done $0x0  }
0x64: {  	[sflag:s17] =	ssyncadd.s32 $0xFFFFC000  }
0x65: {  	[hbm4b:s18+s2] =	stream.linear.scatter [tilespmem:s12], [sflag:$0x6], $0x4000, $0x38;
	[tilespmem:$0xC400] =	vst v63  }
0x66: {  	_ =	swait.ge [sflag:s19], $0x4000  }
0x67: {  	[sflag:s19] =	ssyncset.done $0x0  }
0x68: {  	[sflag:s19] =	ssyncadd.s32 $0xFFFFC000  }
0x69: {  	[tilespmem:s8], [sflag:$0x2] =	stream.indirect.gather [hbm4b:s5+s6], $0x80, s20, s6, $0xb8;
	[tilespmem:$0xC400] =	vst v63  }
0x6a: {  	_ =	swait.ge [sflag:s9], $0x4000  }
0x6b: {  	[sflag:s9] =	ssyncset.done $0x0  }
0x6c: {  	[sflag:s9] =	ssyncadd.s32 $0xFFFFC000  }
0x6d: {  	[hbm4b:s22+s2] =	stream.linear.scatter [tilespmem:s7], [sflag:$0x4], $0x4000, $0x38;
	[tilespmem:$0xC400] =	vst v63  }
0x6e: {  	_ =	swait.ge [sflag:s21], $0x4000  }
0x6f: {  	[sflag:s21] =	ssyncset.done $0x0  }
0x70: {  	[sflag:s21] =	ssyncadd.s32 $0xFFFFC000  }
0x71: {  	[tilespmem:s12], [sflag:$0x3] =	stream.indirect.gather [hbm4b:s5+s6], $0x80, s23, s6, $0xb8;
	[tilespmem:$0xC400] =	vst v63  }
0x72: {  	_ =	swait.ge [sflag:s13], $0x4000  }
0x73: {  	[sflag:s13] =	ssyncset.done $0x0  }
0x74: {  	[sflag:s13] =	ssyncadd.s32 $0xFFFFC000  }
0x75: {  	[hbm4b:s24+s2] =	stream.linear.scatter [tilespmem:s8], [sflag:$0x5], $0x4000, $0x38;
	[tilespmem:$0xC400] =	vst v63  }
0x76: {  	_ =	swait.ge [sflag:s15], $0x4000  }
0x77: {  	[sflag:s15] =	ssyncset.done $0x0  }
0x78: {  	[sflag:s15] =	ssyncadd.s32 $0xFFFFC000  }
0x79: {  	[tilespmem:s7], [sflag:$0x1] =	stream.indirect.gather [hbm4b:s5+s6], $0x80, s25, s6, $0xb8;
	[tilespmem:$0xC400] =	vst v63  }
0x7a: {  	_ =	swait.ge [sflag:s17], $0x4000  }
0x7b: {  	[sflag:s17] =	ssyncset.done $0x0  }
0x7c: {  	[sflag:s17] =	ssyncadd.s32 $0xFFFFC000  }
0x7d: {  	[hbm4b:s26+s2] =	stream.linear.scatter [tilespmem:s12], [sflag:$0x6], $0x4000, $0x38;
	[tilespmem:$0xC400] =	vst v63  }
0x7e: {  	_ =	swait.ge [sflag:s19], $0x4000  }
0x7f: {  	[sflag:s19] =	ssyncset.done $0x0  }
0x80: {  	[sflag:s19] =	ssyncadd.s32 $0xFFFFC000  }
0x81: {  	[tilespmem:s8], [sflag:$0x2] =	stream.indirect.gather [hbm4b:s5+s6], $0x80, s28, s6, $0xb8;
	[tilespmem:$0xC400] =	vst v63  }
0x82: {  	_ =	swait.ge [sflag:s9], $0x4000  }
0x83: {  	[sflag:s9] =	ssyncset.done $0x0  }
0x84: {  	[sflag:s9] =	ssyncadd.s32 $0xFFFFC000  }
0x85: {  	[hbm4b:s29+s2] =	stream.linear.scatter [tilespmem:s7], [sflag:$0x4], $0x4000, $0x38;
	[tilespmem:$0xC400] =	vst v63  }
0x86: {  	_ =	swait.ge [sflag:s13], $0x4000  }
0x87: {  	[sflag:s13] =	ssyncset.done $0x0  }
0x88: {  	[sflag:s13] =	ssyncadd.s32 $0xFFFFC000  }
0x89: {  	[hbm4b:s30+s2] =	stream.linear.scatter [tilespmem:s8], [sflag:$0x5], $0x4000, $0x38;
	[tilespmem:$0xC400] =	vst v63  }
0x8a: {  	_ =	swait.ge [sflag:s15], $0x4000  }
0x8b: {  	[sflag:s15] =	ssyncset.done $0x0  }
0x8c: {  	[sflag:s15] =	ssyncadd.s32 $0xFFFFC000  }
.Ltmp1:
0x8d: {  	_ =	swait.ge [sflag:s19], $0x4000;
	(pc) =	sbr.rel @p0 .LBB2_1-.Ltmp1, $4  }
0x8e: {  	[sflag:s19] =	ssyncset.done $0x0  }
0x8f: {  	[sflag:s19] =	ssyncadd.s32 $0xFFFFC000  }
0x90: {  	_ =	swait.ge [sflag:s21], $0x4000  }
0x91: {  	[sflag:s21] =	ssyncset.done $0x0  }
.LBB2_2:
0x92: {  	[sflag:s21] =	ssyncadd.s32 $0xFFFFC000  }
0x93: {  	_ =	sfence.sel $0x180000  }
0x94: {  	[bflag:$0x0] =	sbarrier.arrive $0xFFFF  }
0x95: {  	_ =	strace $0x90000047  }
0x96: {  	[bflag:$0x2] =	sbarrier.arrive $0xFFFF  }
0x97: {  	p0 =	sne.s32 s0, $0x0;
	s0 =	rddreg [dreg:$0x2]  }
0x98: {  	s0 =	sadd.s32 @!p0 $0x100000, s0  }
0x99: {  	[sflag:s0] =	ssyncadd.tile.s32 @!p0 $0x1;
	_ =	shalt  }
.Lfunc_end2:
_tile_overlayer_lowered:
.L_overlay_start_2:
0x9a: {  	(tag) =	ssettag $0x2  }
0x9b: {  	s0 =	rddreg [dreg:$0x0];
	s2 =	stileid.u32  }
0x9c: {  	s1 =	rddreg [dreg:$0x1];
	p0 =	sne.s32 s2, $0x0  }
0x9d: {  	s3 =	rddreg [dreg:$0x2];
	[bflag:$0x3] =	sbarrier.arrive $0xFFFF;
	s2 =	simm.s32 @!p0 $0x1C07  }
0x9e: {  	[timem:s3], [sflag:s2] =	dma.local @!p0 [hbm:s0], s1  }
0x9f: {  	s0 =	simm.s32 @!p0 $0x7  }
0xa0: {  	_ =	swait.ge @!p0 [sflag:s0], s1  }
0xa1: {  	s1 =	ssub.s32 @!p0 $0x0, s1;
	[sflag:s0] =	ssyncset.done @!p0 $0x0  }
0xa2: {  	[sflag:s0] =	ssyncadd.s32 @!p0 s1  }
0xa3: {  	[bflag:$0x3] =	sbarrier.arrive $0xFFFF  }
0xa4: {  	_ =	shalt  }

</sc_bundles>
